<compile_context>
chip_gen: v7x
topology: tpu7x:2x2x1
jax: 0.10.2.dev20260603
libtpu: 0.0.44.dev20260713+nightly
codegen_flags: <defaults>
</compile_context>

<pallas_src>
import functools

import jax
import jax.numpy as jnp
from jax import lax
from jax.experimental import pallas as pl
from jax.experimental.pallas import tpu as pltpu
from jax.experimental.pallas import tpu_sc as plsc

VOCAB = 1_000_000
EMB = 256
HID = 256
OUT = 18
BATCH = 16384

_info = plsc.get_sparse_core_info()
_NC, _NS = _info.num_cores, _info.num_subcores
_NW = _NC * _NS
_CHUNK = 128

_mesh = plsc.VectorSubcoreMesh(core_axis_name="c", subcore_axis_name="s")


def _make_gather(nrows, mesh=None, nw=None, ncores=None):
    mesh = mesh or _mesh
    nw = nw or _NW
    ncores = ncores or _NC
    bpw = nrows // nw
    nchunk = bpw // _CHUNK
    assert nchunk * _CHUNK == bpw and nchunk >= 1

    @functools.partial(
        pl.kernel,
        mesh=mesh,
        out_type=jax.ShapeDtypeStruct((nrows, EMB), jnp.float32),
        scratch_types=[
            pltpu.VMEM((bpw,), jnp.int32),
            pltpu.VMEM((_CHUNK, EMB), jnp.float32),
            pltpu.VMEM((_CHUNK, EMB), jnp.float32),
            pltpu.SemaphoreType.DMA,
            pltpu.SemaphoreType.DMA,
            pltpu.SemaphoreType.DMA,
            pltpu.SemaphoreType.DMA,
        ],
    )
    def gather_sc(idx_hbm, table_hbm, out_hbm, idx_v, rows0, rows1,
                  gsem0, gsem1, ssem0, ssem1):
        wid = lax.axis_index("s") * ncores + lax.axis_index("c")
        base = wid * bpw
        bufs = (rows0, rows1)
        gsems = (gsem0, gsem1)
        ssems = (ssem0, ssem1)
        pltpu.sync_copy(idx_hbm.at[pl.ds(base, bpw)], idx_v)

        def gather(c):
            return pltpu.async_copy(
                table_hbm.at[idx_v.at[pl.ds(c * _CHUNK, _CHUNK)]],
                bufs[c % 2], gsems[c % 2])

        def store(c):
            return pltpu.async_copy(
                bufs[c % 2], out_hbm.at[pl.ds(base + c * _CHUNK, _CHUNK)],
                ssems[c % 2])

        g = [None] * nchunk
        s = [None] * nchunk
        g[0] = gather(0)
        if nchunk > 1:
            g[1] = gather(1)
        g[0].wait()
        s[0] = store(0)
        for c in range(1, nchunk):
            g[c].wait()
            s[c] = store(c)
            if c + 1 < nchunk:
                s[c - 1].wait()
                g[c + 1] = gather(c + 1)
        if nchunk > 1:
            s[nchunk - 2].wait()
        s[nchunk - 1].wait()

    return gather_sc


def _mlp_body(x_ref, w2_ref, b2_ref, w3_ref, b3_ref, o_ref):
    h = lax.dot_general(
        x_ref[...], w2_ref[...],
        (((1,), (1,)), ((), ())),
        preferred_element_type=jnp.float32,
    ) + b2_ref[...]
    h = jnp.maximum(h, 0.0)
    o_ref[...] = lax.dot_general(
        h, w3_ref[...],
        (((1,), (1,)), ((), ())),
        preferred_element_type=jnp.float32,
    ) + b3_ref[...]


def _mlp(x, W2, b2r, W3, b3r, bs):
    nb = x.shape[0]
    return pl.pallas_call(
        _mlp_body,
        grid=(nb // bs,),
        in_specs=[
            pl.BlockSpec((bs, EMB), lambda i: (i, 0)),
            pl.BlockSpec((HID, EMB), lambda i: (0, 0)),
            pl.BlockSpec((1, HID), lambda i: (0, 0)),
            pl.BlockSpec((OUT, HID), lambda i: (0, 0)),
            pl.BlockSpec((1, OUT), lambda i: (0, 0)),
        ],
        out_specs=pl.BlockSpec((bs, OUT), lambda i: (i, 0)),
        out_shape=jax.ShapeDtypeStruct((nb, OUT), jnp.float32),
    )(x, W2, b2r, W3, b3r)


_NCHAIN = 2
_ROWS = BATCH // _NCHAIN
_gather = _make_gather(_ROWS)


def kernel(states, emb, W2, b2, W3, b3):
    idx = states.astype(jnp.int32).reshape(_NCHAIN, _ROWS)
    b2r = b2.reshape(1, HID)
    b3r = b3.reshape(1, OUT)
    xs = [_gather(idx[i], emb) for i in range(_NCHAIN)]
    outs = [_mlp(x, W2, b2r, W3, b3r, bs=2048) for x in xs]
    return jnp.concatenate(outs, axis=0)

# --- scband reference (transcript-rebuilt; emitter-appended) ---
"""Pipeline reference for scband-discrete-critic-discrete-obs-22917945492157 (READ-ONLY COPY).

The authoritative reference and input builder live on the scoring server;
editing this copy changes nothing except your own understanding.
"""

import jax, jax.numpy as jnp
import numpy as np

VOCAB = 1000000
EMB = 256
HID = 256
OUT = 18
BATCH = 16384

def setup_inputs(seed: int = 0) -> dict:
    key = jax.random.key(seed)
    k1, k2, k3, k4, k5, k6 = jax.random.split(key, 6)
    states = jax.random.randint(k1, (BATCH,), 0, VOCAB)
    emb = jax.random.normal(k2, (VOCAB, EMB), dtype=jnp.float32)
    # torch Linear default init: U(-1/sqrt(fan_in), 1/sqrt(fan_in))
    lim2 = 1.0 / np.sqrt(EMB)
    W2 = jax.random.uniform(k3, (HID, EMB), minval=-lim2, maxval=lim2, dtype=jnp.float32)
    b2 = jax.random.uniform(k4, (HID,), minval=-lim2, maxval=lim2, dtype=jnp.float32)
    lim3 = 1.0 / np.sqrt(HID)
    W3 = jax.random.uniform(k5, (OUT, HID), minval=-lim3, maxval=lim3, dtype=jnp.float32)
    b3 = jax.random.uniform(k6, (OUT,), minval=-lim3, maxval=lim3, dtype=jnp.float32)
    return {"states": states, "emb": emb, "W2": W2, "b2": b2, "W3": W3, "b3": b3}

def reference(states, emb, W2, b2, W3, b3):
    x = jnp.take(emb, states, axis=0)            # embedding lookup [B, 256]
    x = jax.nn.relu(x @ W2.T + b2)               # fc2 + relu
    q_values = x @ W3.T + b3                     # fc3
    return q_values

if __name__ == "__main__":
    import jax
    _d = setup_inputs()
    print(jax.jit(kernel)(*tuple(_d.values())))

</pallas_src>

<mosaic_0001>
#map = affine_map<(d0, d1) -> (0)>
#map1 = affine_map<(d0, d1) -> (0, 0)>
module attributes {stable_mosaic.version = 14 : i64} {
  func.func @gather_sc(%arg0: i32, %arg1: i32, %arg2: memref<8192xi32, #tpu.memory_space<hbm>>, %arg3: memref<1000000x256xf32, #tpu.memory_space<hbm>>, %arg4: memref<8192x256xf32, #tpu.memory_space<hbm>>, %arg5: memref<256xi32, #tpu.memory_space<vmem>>, %arg6: memref<128x256xf32, #tpu.memory_space<vmem>>, %arg7: memref<128x256xf32, #tpu.memory_space<vmem>>, %arg8: memref<!tpu.dma_semaphore, #tpu.memory_space<semaphore_mem>>, %arg9: memref<!tpu.dma_semaphore, #tpu.memory_space<semaphore_mem>>, %arg10: memref<!tpu.dma_semaphore, #tpu.memory_space<semaphore_mem>>, %arg11: memref<!tpu.dma_semaphore, #tpu.memory_space<semaphore_mem>>) attributes {dimension_semantics = [#tpu.dimension_semantics<core_parallel>, #tpu.dimension_semantics<subcore_parallel>], iteration_bounds = array<i64: 2, 16>, scalar_prefetch = 0 : i64, scratch_operands = 7 : i64, tpu.core_type = #tpu.core_type<sc_vector_subcore>, window_params = [{transform_indices = #map}, {transform_indices = #map1}, {transform_indices = #map1}]} {
    %mul3A = arith.constant 2 : i32
    %mul3A_0 = arith.muli %arg1, %mul3A : i32
    %add3A = arith.addi %mul3A_0, %arg0 : i32
    %mul3A_1 = arith.constant 256 : i32
    %mul3A_2 = arith.muli %add3A, %mul3A_1 : i32
    "tpu.region"() ({
      %run_scoped3A = tpu.sem_alloc : memref<!tpu.dma_semaphore, #tpu.memory_space<semaphore_mem>>
      %dma_start3A_41 = tpu.memref_slice %arg2[%mul3A_2] : memref<8192xi32, #tpu.memory_space<hbm>> -> memref<256xi32, #tpu.memory_space<hbm>>
      %dma_start3A_42 = tpu.memref_slice %arg2[%mul3A_2] : memref<8192xi32, #tpu.memory_space<hbm>> -> memref<256xi32, #tpu.memory_space<hbm>>
      tpu.enqueue_dma source(%dma_start3A_42 : memref<256xi32, #tpu.memory_space<hbm>>) target(%arg5 : memref<256xi32, #tpu.memory_space<vmem>>) target_semaphore(%run_scoped3A : memref<!tpu.dma_semaphore, #tpu.memory_space<semaphore_mem>>)
      %dma_wait3A_43 = tpu.memref_slice %arg2[%mul3A_2] : memref<8192xi32, #tpu.memory_space<hbm>> -> memref<256xi32, #tpu.memory_space<hbm>>
      %dma_wait3A_44 = tpu.memref_slice %arg2[%mul3A_2] : memref<8192xi32, #tpu.memory_space<hbm>> -> memref<256xi32, #tpu.memory_space<hbm>>
      tpu.wait_dma2 semaphore(%run_scoped3A : memref<!tpu.dma_semaphore, #tpu.memory_space<semaphore_mem>>) src(%dma_wait3A_44 : memref<256xi32, #tpu.memory_space<hbm>>) dst(%arg5 : memref<256xi32, #tpu.memory_space<vmem>>)
      tpu.yield
    }) : () -> ()
    %dma_start3A = arith.constant 0 : i32
    %dma_start3A_3 = tpu.memref_slice %arg5[%dma_start3A] : memref<256xi32, #tpu.memory_space<vmem>> -> memref<128xi32, #tpu.memory_space<vmem>>
    %dma_start3A_4 = arith.constant 0 : i32
    %dma_start3A_5 = arith.constant 0 : i32
    %dma_start3A_6 = tpu.memref_slice %arg3[%dma_start3A_4, %dma_start3A_5] : memref<1000000x256xf32, #tpu.memory_space<hbm>> -> memref<1000000x256xf32, #tpu.memory_space<hbm>>
    tpu.enqueue_indirect_dma source(%dma_start3A_6 : memref<1000000x256xf32, #tpu.memory_space<hbm>>) target(%arg6 : memref<128x256xf32, #tpu.memory_space<vmem>>) offsets(%dma_start3A_3 : memref<128xi32, #tpu.memory_space<vmem>>) semaphore(%arg8 : memref<!tpu.dma_semaphore, #tpu.memory_space<semaphore_mem>>)
    %dma_start3A_7 = arith.constant 128 : i32
    %dma_start3A_8 = tpu.memref_slice %arg5[%dma_start3A_7] : memref<256xi32, #tpu.memory_space<vmem>> -> memref<128xi32, #tpu.memory_space<vmem>>
    %dma_start3A_9 = arith.constant 0 : i32
    %dma_start3A_10 = arith.constant 0 : i32
    %dma_start3A_11 = tpu.memref_slice %arg3[%dma_start3A_9, %dma_start3A_10] : memref<1000000x256xf32, #tpu.memory_space<hbm>> -> memref<1000000x256xf32, #tpu.memory_space<hbm>>
    tpu.enqueue_indirect_dma source(%dma_start3A_11 : memref<1000000x256xf32, #tpu.memory_space<hbm>>) target(%arg7 : memref<128x256xf32, #tpu.memory_space<vmem>>) offsets(%dma_start3A_8 : memref<128xi32, #tpu.memory_space<vmem>>) semaphore(%arg9 : memref<!tpu.dma_semaphore, #tpu.memory_space<semaphore_mem>>)
    %dma_wait3A = arith.constant 0 : i32
    %dma_wait3A_12 = tpu.memref_slice %arg5[%dma_wait3A] : memref<256xi32, #tpu.memory_space<vmem>> -> memref<128xi32, #tpu.memory_space<vmem>>
    %dma_wait3A_13 = arith.constant 0 : i32
    %dma_wait3A_14 = arith.constant 0 : i32
    %dma_wait3A_15 = tpu.memref_slice %arg3[%dma_wait3A_13, %dma_wait3A_14] : memref<1000000x256xf32, #tpu.memory_space<hbm>> -> memref<1000000x256xf32, #tpu.memory_space<hbm>>
    tpu.wait_indirect_dma semaphore(%arg8 : memref<!tpu.dma_semaphore, #tpu.memory_space<semaphore_mem>>) src(%dma_wait3A_15 : memref<1000000x256xf32, #tpu.memory_space<hbm>>) dst(%arg6 : memref<128x256xf32, #tpu.memory_space<vmem>>)
    %add3A_16 = arith.constant 0 : i32
    %add3A_17 = arith.addi %mul3A_2, %add3A_16 : i32
    %dma_start3A_18 = arith.constant 0 : i32
    %dma_start3A_19 = tpu.memref_slice %arg4[%add3A_17, %dma_start3A_18] : memref<8192x256xf32, #tpu.memory_space<hbm>> -> memref<128x256xf32, #tpu.memory_space<hbm>>
    %dma_start3A_20 = arith.constant 0 : i32
    %dma_start3A_21 = tpu.memref_slice %arg4[%add3A_17, %dma_start3A_20] : memref<8192x256xf32, #tpu.memory_space<hbm>> -> memref<128x256xf32, #tpu.memory_space<hbm>>
    tpu.enqueue_dma source(%arg6 : memref<128x256xf32, #tpu.memory_space<vmem>>) target(%dma_start3A_21 : memref<128x256xf32, #tpu.memory_space<hbm>>) target_semaphore(%arg10 : memref<!tpu.dma_semaphore, #tpu.memory_space<semaphore_mem>>)
    %dma_wait3A_22 = arith.constant 128 : i32
    %dma_wait3A_23 = tpu.memref_slice %arg5[%dma_wait3A_22] : memref<256xi32, #tpu.memory_space<vmem>> -> memref<128xi32, #tpu.memory_space<vmem>>
    %dma_wait3A_24 = arith.constant 0 : i32
    %dma_wait3A_25 = arith.constant 0 : i32
    %dma_wait3A_26 = tpu.memref_slice %arg3[%dma_wait3A_24, %dma_wait3A_25] : memref<1000000x256xf32, #tpu.memory_space<hbm>> -> memref<1000000x256xf32, #tpu.memory_space<hbm>>
    tpu.wait_indirect_dma semaphore(%arg9 : memref<!tpu.dma_semaphore, #tpu.memory_space<semaphore_mem>>) src(%dma_wait3A_26 : memref<1000000x256xf32, #tpu.memory_space<hbm>>) dst(%arg7 : memref<128x256xf32, #tpu.memory_space<vmem>>)
    %add3A_27 = arith.constant 128 : i32
    %add3A_28 = arith.addi %mul3A_2, %add3A_27 : i32
    %dma_start3A_29 = arith.constant 0 : i32
    %dma_start3A_30 = tpu.memref_slice %arg4[%add3A_28, %dma_start3A_29] : memref<8192x256xf32, #tpu.memory_space<hbm>> -> memref<128x256xf32, #tpu.memory_space<hbm>>
    %dma_start3A_31 = arith.constant 0 : i32
    %dma_start3A_32 = tpu.memref_slice %arg4[%add3A_28, %dma_start3A_31] : memref<8192x256xf32, #tpu.memory_space<hbm>> -> memref<128x256xf32, #tpu.memory_space<hbm>>
    tpu.enqueue_dma source(%arg7 : memref<128x256xf32, #tpu.memory_space<vmem>>) target(%dma_start3A_32 : memref<128x256xf32, #tpu.memory_space<hbm>>) target_semaphore(%arg11 : memref<!tpu.dma_semaphore, #tpu.memory_space<semaphore_mem>>)
    %dma_wait3A_33 = arith.constant 0 : i32
    %dma_wait3A_34 = tpu.memref_slice %arg4[%add3A_17, %dma_wait3A_33] : memref<8192x256xf32, #tpu.memory_space<hbm>> -> memref<128x256xf32, #tpu.memory_space<hbm>>
    %dma_wait3A_35 = arith.constant 0 : i32
    %dma_wait3A_36 = tpu.memref_slice %arg4[%add3A_17, %dma_wait3A_35] : memref<8192x256xf32, #tpu.memory_space<hbm>> -> memref<128x256xf32, #tpu.memory_space<hbm>>
    tpu.wait_dma2 semaphore(%arg10 : memref<!tpu.dma_semaphore, #tpu.memory_space<semaphore_mem>>) src(%arg6 : memref<128x256xf32, #tpu.memory_space<vmem>>) dst(%dma_wait3A_36 : memref<128x256xf32, #tpu.memory_space<hbm>>)
    %dma_wait3A_37 = arith.constant 0 : i32
    %dma_wait3A_38 = tpu.memref_slice %arg4[%add3A_28, %dma_wait3A_37] : memref<8192x256xf32, #tpu.memory_space<hbm>> -> memref<128x256xf32, #tpu.memory_space<hbm>>
    %dma_wait3A_39 = arith.constant 0 : i32
    %dma_wait3A_40 = tpu.memref_slice %arg4[%add3A_28, %dma_wait3A_39] : memref<8192x256xf32, #tpu.memory_space<hbm>> -> memref<128x256xf32, #tpu.memory_space<hbm>>
    tpu.wait_dma2 semaphore(%arg11 : memref<!tpu.dma_semaphore, #tpu.memory_space<semaphore_mem>>) src(%arg7 : memref<128x256xf32, #tpu.memory_space<vmem>>) dst(%dma_wait3A_40 : memref<128x256xf32, #tpu.memory_space<hbm>>)
    return
  }
}

#map = affine_map<(d0, d1) -> (0)>
#map1 = affine_map<(d0, d1) -> (0, 0)>
module attributes {stable_mosaic.version = 14 : i64} {
  func.func @gather_sc(%arg0: i32, %arg1: i32, %arg2: memref<8192xi32, #tpu.memory_space<hbm>>, %arg3: memref<1000000x256xf32, #tpu.memory_space<hbm>>, %arg4: memref<8192x256xf32, #tpu.memory_space<hbm>>, %arg5: memref<256xi32, #tpu.memory_space<vmem>>, %arg6: memref<128x256xf32, #tpu.memory_space<vmem>>, %arg7: memref<128x256xf32, #tpu.memory_space<vmem>>, %arg8: memref<!tpu.dma_semaphore, #tpu.memory_space<semaphore_mem>>, %arg9: memref<!tpu.dma_semaphore, #tpu.memory_space<semaphore_mem>>, %arg10: memref<!tpu.dma_semaphore, #tpu.memory_space<semaphore_mem>>, %arg11: memref<!tpu.dma_semaphore, #tpu.memory_space<semaphore_mem>>) attributes {dimension_semantics = [#tpu.dimension_semantics<core_parallel>, #tpu.dimension_semantics<subcore_parallel>], iteration_bounds = array<i64: 2, 16>, scalar_prefetch = 0 : i64, scratch_operands = 7 : i64, tpu.core_type = #tpu.core_type<sc_vector_subcore>, window_params = [{transform_indices = #map}, {transform_indices = #map1}, {transform_indices = #map1}]} {
    %mul3A = arith.constant 2 : i32
    %mul3A_0 = arith.muli %arg1, %mul3A : i32
    %add3A = arith.addi %mul3A_0, %arg0 : i32
    %mul3A_1 = arith.constant 256 : i32
    %mul3A_2 = arith.muli %add3A, %mul3A_1 : i32
    "tpu.region"() ({
      %run_scoped3A = tpu.sem_alloc : memref<!tpu.dma_semaphore, #tpu.memory_space<semaphore_mem>>
      %dma_start3A_41 = tpu.memref_slice %arg2[%mul3A_2] : memref<8192xi32, #tpu.memory_space<hbm>> -> memref<256xi32, #tpu.memory_space<hbm>>
      %dma_start3A_42 = tpu.memref_slice %arg2[%mul3A_2] : memref<8192xi32, #tpu.memory_space<hbm>> -> memref<256xi32, #tpu.memory_space<hbm>>
      tpu.enqueue_dma source(%dma_start3A_42 : memref<256xi32, #tpu.memory_space<hbm>>) target(%arg5 : memref<256xi32, #tpu.memory_space<vmem>>) target_semaphore(%run_scoped3A : memref<!tpu.dma_semaphore, #tpu.memory_space<semaphore_mem>>)
      %dma_wait3A_43 = tpu.memref_slice %arg2[%mul3A_2] : memref<8192xi32, #tpu.memory_space<hbm>> -> memref<256xi32, #tpu.memory_space<hbm>>
      %dma_wait3A_44 = tpu.memref_slice %arg2[%mul3A_2] : memref<8192xi32, #tpu.memory_space<hbm>> -> memref<256xi32, #tpu.memory_space<hbm>>
      tpu.wait_dma2 semaphore(%run_scoped3A : memref<!tpu.dma_semaphore, #tpu.memory_space<semaphore_mem>>) src(%dma_wait3A_44 : memref<256xi32, #tpu.memory_space<hbm>>) dst(%arg5 : memref<256xi32, #tpu.memory_space<vmem>>)
      tpu.yield
    }) : () -> ()
    %dma_start3A = arith.constant 0 : i32
    %dma_start3A_3 = tpu.memref_slice %arg5[%dma_start3A] : memref<256xi32, #tpu.memory_space<vmem>> -> memref<128xi32, #tpu.memory_space<vmem>>
    %dma_start3A_4 = arith.constant 0 : i32
    %dma_start3A_5 = arith.constant 0 : i32
    %dma_start3A_6 = tpu.memref_slice %arg3[%dma_start3A_4, %dma_start3A_5] : memref<1000000x256xf32, #tpu.memory_space<hbm>> -> memref<1000000x256xf32, #tpu.memory_space<hbm>>
    tpu.enqueue_indirect_dma source(%dma_start3A_6 : memref<1000000x256xf32, #tpu.memory_space<hbm>>) target(%arg6 : memref<128x256xf32, #tpu.memory_space<vmem>>) offsets(%dma_start3A_3 : memref<128xi32, #tpu.memory_space<vmem>>) semaphore(%arg8 : memref<!tpu.dma_semaphore, #tpu.memory_space<semaphore_mem>>)
    %dma_start3A_7 = arith.constant 128 : i32
    %dma_start3A_8 = tpu.memref_slice %arg5[%dma_start3A_7] : memref<256xi32, #tpu.memory_space<vmem>> -> memref<128xi32, #tpu.memory_space<vmem>>
    %dma_start3A_9 = arith.constant 0 : i32
    %dma_start3A_10 = arith.constant 0 : i32
    %dma_start3A_11 = tpu.memref_slice %arg3[%dma_start3A_9, %dma_start3A_10] : memref<1000000x256xf32, #tpu.memory_space<hbm>> -> memref<1000000x256xf32, #tpu.memory_space<hbm>>
    tpu.enqueue_indirect_dma source(%dma_start3A_11 : memref<1000000x256xf32, #tpu.memory_space<hbm>>) target(%arg7 : memref<128x256xf32, #tpu.memory_space<vmem>>) offsets(%dma_start3A_8 : memref<128xi32, #tpu.memory_space<vmem>>) semaphore(%arg9 : memref<!tpu.dma_semaphore, #tpu.memory_space<semaphore_mem>>)
    %dma_wait3A = arith.constant 0 : i32
    %dma_wait3A_12 = tpu.memref_slice %arg5[%dma_wait3A] : memref<256xi32, #tpu.memory_space<vmem>> -> memref<128xi32, #tpu.memory_space<vmem>>
    %dma_wait3A_13 = arith.constant 0 : i32
    %dma_wait3A_14 = arith.constant 0 : i32
    %dma_wait3A_15 = tpu.memref_slice %arg3[%dma_wait3A_13, %dma_wait3A_14] : memref<1000000x256xf32, #tpu.memory_space<hbm>> -> memref<1000000x256xf32, #tpu.memory_space<hbm>>
    tpu.wait_indirect_dma semaphore(%arg8 : memref<!tpu.dma_semaphore, #tpu.memory_space<semaphore_mem>>) src(%dma_wait3A_15 : memref<1000000x256xf32, #tpu.memory_space<hbm>>) dst(%arg6 : memref<128x256xf32, #tpu.memory_space<vmem>>)
    %add3A_16 = arith.constant 0 : i32
    %add3A_17 = arith.addi %mul3A_2, %add3A_16 : i32
    %dma_start3A_18 = arith.constant 0 : i32
    %dma_start3A_19 = tpu.memref_slice %arg4[%add3A_17, %dma_start3A_18] : memref<8192x256xf32, #tpu.memory_space<hbm>> -> memref<128x256xf32, #tpu.memory_space<hbm>>
    %dma_start3A_20 = arith.constant 0 : i32
    %dma_start3A_21 = tpu.memref_slice %arg4[%add3A_17, %dma_start3A_20] : memref<8192x256xf32, #tpu.memory_space<hbm>> -> memref<128x256xf32, #tpu.memory_space<hbm>>
    tpu.enqueue_dma source(%arg6 : memref<128x256xf32, #tpu.memory_space<vmem>>) target(%dma_start3A_21 : memref<128x256xf32, #tpu.memory_space<hbm>>) target_semaphore(%arg10 : memref<!tpu.dma_semaphore, #tpu.memory_space<semaphore_mem>>)
    %dma_wait3A_22 = arith.constant 128 : i32
    %dma_wait3A_23 = tpu.memref_slice %arg5[%dma_wait3A_22] : memref<256xi32, #tpu.memory_space<vmem>> -> memref<128xi32, #tpu.memory_space<vmem>>
    %dma_wait3A_24 = arith.constant 0 : i32
    %dma_wait3A_25 = arith.constant 0 : i32
    %dma_wait3A_26 = tpu.memref_slice %arg3[%dma_wait3A_24, %dma_wait3A_25] : memref<1000000x256xf32, #tpu.memory_space<hbm>> -> memref<1000000x256xf32, #tpu.memory_space<hbm>>
    tpu.wait_indirect_dma semaphore(%arg9 : memref<!tpu.dma_semaphore, #tpu.memory_space<semaphore_mem>>) src(%dma_wait3A_26 : memref<1000000x256xf32, #tpu.memory_space<hbm>>) dst(%arg7 : memref<128x256xf32, #tpu.memory_space<vmem>>)
    %add3A_27 = arith.constant 128 : i32
    %add3A_28 = arith.addi %mul3A_2, %add3A_27 : i32
    %dma_start3A_29 = arith.constant 0 : i32
    %dma_start3A_30 = tpu.memref_slice %arg4[%add3A_28, %dma_start3A_29] : memref<8192x256xf32, #tpu.memory_space<hbm>> -> memref<128x256xf32, #tpu.memory_space<hbm>>
    %dma_start3A_31 = arith.constant 0 : i32
    %dma_start3A_32 = tpu.memref_slice %arg4[%add3A_28, %dma_start3A_31] : memref<8192x256xf32, #tpu.memory_space<hbm>> -> memref<128x256xf32, #tpu.memory_space<hbm>>
    tpu.enqueue_dma source(%arg7 : memref<128x256xf32, #tpu.memory_space<vmem>>) target(%dma_start3A_32 : memref<128x256xf32, #tpu.memory_space<hbm>>) target_semaphore(%arg11 : memref<!tpu.dma_semaphore, #tpu.memory_space<semaphore_mem>>)
    %dma_wait3A_33 = arith.constant 0 : i32
    %dma_wait3A_34 = tpu.memref_slice %arg4[%add3A_17, %dma_wait3A_33] : memref<8192x256xf32, #tpu.memory_space<hbm>> -> memref<128x256xf32, #tpu.memory_space<hbm>>
    %dma_wait3A_35 = arith.constant 0 : i32
    %dma_wait3A_36 = tpu.memref_slice %arg4[%add3A_17, %dma_wait3A_35] : memref<8192x256xf32, #tpu.memory_space<hbm>> -> memref<128x256xf32, #tpu.memory_space<hbm>>
    tpu.wait_dma2 semaphore(%arg10 : memref<!tpu.dma_semaphore, #tpu.memory_space<semaphore_mem>>) src(%arg6 : memref<128x256xf32, #tpu.memory_space<vmem>>) dst(%dma_wait3A_36 : memref<128x256xf32, #tpu.memory_space<hbm>>)
    %dma_wait3A_37 = arith.constant 0 : i32
    %dma_wait3A_38 = tpu.memref_slice %arg4[%add3A_28, %dma_wait3A_37] : memref<8192x256xf32, #tpu.memory_space<hbm>> -> memref<128x256xf32, #tpu.memory_space<hbm>>
    %dma_wait3A_39 = arith.constant 0 : i32
    %dma_wait3A_40 = tpu.memref_slice %arg4[%add3A_28, %dma_wait3A_39] : memref<8192x256xf32, #tpu.memory_space<hbm>> -> memref<128x256xf32, #tpu.memory_space<hbm>>
    tpu.wait_dma2 semaphore(%arg11 : memref<!tpu.dma_semaphore, #tpu.memory_space<semaphore_mem>>) src(%arg7 : memref<128x256xf32, #tpu.memory_space<vmem>>) dst(%dma_wait3A_40 : memref<128x256xf32, #tpu.memory_space<hbm>>)
    return
  }
}

module attributes {stable_mosaic.version = 14 : i64} {
  func.func @_mlp_body(%arg0: i32, %arg1: memref<2048x256xf32, #tpu.memory_space<vmem>>, %arg2: memref<256x256xf32, #tpu.memory_space<vmem>>, %arg3: memref<1x256xf32, #tpu.memory_space<vmem>>, %arg4: memref<18x256xf32, #tpu.memory_space<vmem>>, %arg5: memref<1x18xf32, #tpu.memory_space<vmem>>, %arg6: memref<2048x18xf32, #tpu.memory_space<vmem>>) attributes {dimension_semantics = [#tpu.dimension_semantics<arbitrary>], iteration_bounds = array<i64: 4>, scalar_prefetch = 0 : i64, scratch_operands = 0 : i64, tpu.core_type = #tpu.core_type<tc>, window_params = [{transform_indices = @transform_0, window_bounds = array<i64: 2048, 256>}, {pipeline_mode = #tpu.pipeline_mode<synchronous>, transform_indices = @transform_1, window_bounds = array<i64: 256, 256>}, {pipeline_mode = #tpu.pipeline_mode<synchronous>, transform_indices = @transform_2, window_bounds = array<i64: 1, 256>}, {pipeline_mode = #tpu.pipeline_mode<synchronous>, transform_indices = @transform_3, window_bounds = array<i64: 18, 256>}, {pipeline_mode = #tpu.pipeline_mode<synchronous>, transform_indices = @transform_4, window_bounds = array<i64: 1, 18>}, {transform_indices = @transform_5, window_bounds = array<i64: 2048, 18>}]} {
    %get3A = arith.constant 0 : index
    %get3A_0 = arith.constant 0 : index
    %get3A_1 = vector.load %arg1[%get3A, %get3A_0] : memref<2048x256xf32, #tpu.memory_space<vmem>>, vector<2048x256xf32>
    %get3A_2 = arith.constant 0 : index
    %get3A_3 = arith.constant 0 : index
    %get3A_4 = vector.load %arg2[%get3A_2, %get3A_3] : memref<256x256xf32, #tpu.memory_space<vmem>>, vector<256x256xf32>
    %dot_general3A = arith.constant dense<0.000000e+00> : vector<2048x256xf32>
    %dot_general3A_5 = tpu.matmul %get3A_1, %get3A_4, %dot_general3A {dimension_numbers = #tpu.dot_dimension_numbers<[1], [1], [0], [0], [0, 0, 1, 0], [], []>, transpose_lhs_hint = false} : vector<2048x256xf32>, vector<256x256xf32>, vector<2048x256xf32> -> vector<2048x256xf32>
    %get3A_6 = arith.constant 0 : index
    %get3A_7 = arith.constant 0 : index
    %get3A_8 = vector.load %arg3[%get3A_6, %get3A_7] : memref<1x256xf32, #tpu.memory_space<vmem>>, vector<1x256xf32>
    %add3A = vector.broadcast %get3A_8 : vector<1x256xf32> to vector<2048x256xf32>
    %add3A_9 = arith.addf %dot_general3A_5, %add3A : vector<2048x256xf32>
    %max3A = arith.constant 0.000000e+00 : f32
    %max3A_10 = vector.broadcast %max3A : f32 to vector<2048x256xf32>
    %max3A_11 = arith.maximumf %add3A_9, %max3A_10 : vector<2048x256xf32>
    %get3A_12 = arith.constant 0 : index
    %get3A_13 = arith.constant 0 : index
    %get3A_14 = vector.load %arg4[%get3A_12, %get3A_13] : memref<18x256xf32, #tpu.memory_space<vmem>>, vector<18x256xf32>
    %dot_general3A_15 = arith.constant dense<0.000000e+00> : vector<2048x18xf32>
    %dot_general3A_16 = tpu.matmul %max3A_11, %get3A_14, %dot_general3A_15 {dimension_numbers = #tpu.dot_dimension_numbers<[1], [1], [0], [0], [0, 0, 1, 0], [], []>, transpose_lhs_hint = false} : vector<2048x256xf32>, vector<18x256xf32>, vector<2048x18xf32> -> vector<2048x18xf32>
    %get3A_17 = arith.constant 0 : index
    %get3A_18 = arith.constant 0 : index
    %get3A_19 = vector.load %arg5[%get3A_17, %get3A_18] : memref<1x18xf32, #tpu.memory_space<vmem>>, vector<1x18xf32>
    %add3A_20 = vector.broadcast %get3A_19 : vector<1x18xf32> to vector<2048x18xf32>
    %add3A_21 = arith.addf %dot_general3A_16, %add3A_20 : vector<2048x18xf32>
    %swap3A = arith.constant 0 : index
    %swap3A_22 = arith.constant 0 : index
    %swap3A_23 = vector.load %arg6[%swap3A, %swap3A_22] : memref<2048x18xf32, #tpu.memory_space<vmem>>, vector<2048x18xf32>
    tpu.vector_store %arg6[%swap3A, %swap3A_22], %add3A_21 {strides = array<i32>} : memref<2048x18xf32, #tpu.memory_space<vmem>>, vector<2048x18xf32>,
    return
  }
  func.func @transform_0(%arg0: i32) -> (i32, i32) {
    %c0_i32 = arith.constant 0 : i32
    %c0_i32_0 = arith.constant 0 : i32
    return %arg0, %c0_i32 : i32, i32
  }
  func.func @transform_1(%arg0: i32) -> (i32, i32) {
    %c0_i32 = arith.constant 0 : i32
    %c0_i32_0 = arith.constant 0 : i32
    %c0_i32_1 = arith.constant 0 : i32
    return %c0_i32, %c0_i32_0 : i32, i32
  }
  func.func @transform_2(%arg0: i32) -> (i32, i32) {
    %c0_i32 = arith.constant 0 : i32
    %c0_i32_0 = arith.constant 0 : i32
    %c0_i32_1 = arith.constant 0 : i32
    return %c0_i32, %c0_i32_0 : i32, i32
  }
  func.func @transform_3(%arg0: i32) -> (i32, i32) {
    %c0_i32 = arith.constant 0 : i32
    %c0_i32_0 = arith.constant 0 : i32
    %c0_i32_1 = arith.constant 0 : i32
    return %c0_i32, %c0_i32_0 : i32, i32
  }
  func.func @transform_4(%arg0: i32) -> (i32, i32) {
    %c0_i32 = arith.constant 0 : i32
    %c0_i32_0 = arith.constant 0 : i32
    %c0_i32_1 = arith.constant 0 : i32
    return %c0_i32, %c0_i32_0 : i32, i32
  }
  func.func @transform_5(%arg0: i32) -> (i32, i32) {
    %c0_i32 = arith.constant 0 : i32
    %c0_i32_0 = arith.constant 0 : i32
    return %arg0, %c0_i32 : i32, i32
  }
}

</mosaic_0001>

<sc_bundles>
// kernel: kernel.6.cloned.1.call-start
scs
__scs_entry_jumppad:
0x0: {  	(pc) =	sbr.rel $0x88, $3  }
0x1: {  	(tag) =	ssettag $0x0;
	lr =	simm.s32 $0x1  }
0x2: {  	[smem:$0x3F9B] =	sst lr;
	_ =	strace $0xD0000000  }
0x3: {  	_ = 	snop  }
0x4: {  	_ = 	snop  }
0x5: {  	_ = 	snop  }
0x6: {  	_ = 	snop  }
0x7: {  	_ = 	snop  }
__scs_overlays_trampoline_lowered:
0x8: {  	[smem:$0x3FAA] =	sst s0  }
0x9: {  	[smem:$0x3FAB] =	sst s1  }
0xa: {  	[smem:$0x3FAC] =	sst s2  }
0xb: {  	[smem:$0x3FAD] =	sst s3  }
0xc: {  	[smem:$0x3FAE] =	sst s4  }
0xd: {  	[smem:$0x3FAF] =	sst s5  }
0xe: {  	[smem:$0x3FB0] =	sst s6  }
0xf: {  	[smem:$0x3FB1] =	sst s7  }
0x10: {  	[smem:$0x3FB2] =	sst s8  }
0x11: {  	[smem:$0x3FB3] =	sst s9;
	s0 =	simm.s32 @!p0 $0x0  }
0x12: {  	s1 =	sld [smem:$0x3F99];
	s0 =	simm.s32 @p0 $0x1  }
0x13: {  	[smem:$0x3FB4] =	sst s0;
	s0 =	simm.s32 @!p1 $0x0  }
0x14: {  	s2 =	sld [smem:$0x3F98];
	s0 =	simm.s32 @p1 $0x1  }
0x15: {  	[smem:$0x3FB5] =	sst s0;
	s0 =	simm.s32 @!p2 $0x0  }
0x16: {  	s3 =	sld [smem:$0x3FDB];
	s0 =	simm.s32 @p2 $0x1  }
0x17: {  	s4 =	simm.s32 $0x1BF5;
	[smem:$0x3FB7] =	sst s0  }
0x18: {  	s0 =	sld [smem:$0x3F9A];
	_ =	swait.ge [sflag:s4], $0x0  }
0x19: {  	s7 =	sld [smem:$0x3F9B]  }
0x1a: {  	s8 =	sadd.s32 $0xFFFFE003, lr  }
0x1b: {  	s9 =	sadd.s32 $0xFFFFFEF7, lr;
	s5 =	simm.s32 $0xFFFFFFFF;
	p2 =	slt.u32 s8, $0xFFFFF086  }
0x1c: {  	p1 =	slt.u32 s9, $0xF7A;
	s5 =	simm.s32 @!p2 $0x0  }
0x1d: {  	s5 =	simm.s32 @p1 $0x1;
	p0 =	seq.s32 s7, s2  }
0x1e: {  	s7 =	smul.u32 @!p0 $0xF7A, s2;
	p2 =	seq.s32 @!p0 s5, $0x0  }
0x1f: {  	s9 =	smul.u32 $0xF7A, s1;
	s8 =	simm.s32 @!p0 $0x1BF5;
	p2 =	por !p2, p0  }
0x20: {  	[sflag:s8] =	ssyncset.s32 @!p0 $0xFFFFF086;
	s6 =	sadd.s32 @!p0 s3, s7;
	s7 =	simm.s32 @!p0 $0x108  }
0x21: {  	s3 =	sadd.s32 s3, s9;
	s6 =	sadd.s32 @!p0 $0x88, s6;
	s7 =	simm.s32 @p2 $0x1082  }
0x22: {  	[simem:s7], [sflag:s8] =	dma.local @!p0 [hbm:s6], $0xF7A  }
0x23: {  	s9 =	sor.u32 $0xD0000000, s2;
	s6 =	simm.s32 $0x108;
	_ =	swait.ge @!p0 [sflag:s8], $0x0  }
0x24: {  	s3 =	sadd.s32 $0x88, s3;
	s6 =	simm.s32 @!p1 $0x1082;
	[sflag:s4] =	ssyncset.s32 $0xFFFFF086  }
0x25: {  	[simem:s6], [sflag:s4] =	dma.local [hbm:s3], $0xF7A  }
0x26: {  	[smem:$0x3F9B] =	sst s1;
	(tag) =	ssettag s2;
	_ =	strace s9  }
0x27: {  	s1 =	sld [smem:$0x3FAB]  }
0x28: {  	s2 =	sld [smem:$0x3FAC]  }
0x29: {  	s4 =	sld [smem:$0x3FAE]  }
0x2a: {  	p0 =	seq.s32 s5, $0x0;
	s5 =	sld [smem:$0x3FAF]  }
0x2b: {  	s6 =	sld [smem:$0x3FB0]  }
0x2c: {  	s7 =	sld [smem:$0x3FB1]  }
0x2d: {  	s3 =	simm.s32 $0x108;
	s8 =	sld [smem:$0x3FB2]  }
0x2e: {  	s3 =	simm.s32 @!p0 $0x1082;
	s9 =	sld [smem:$0x3FB3]  }
0x2f: {  	lr =	sadd.s32 s0, s3;
	s0 =	sld [smem:$0x3FAA]  }
0x30: {  	s3 =	sld [smem:$0x3FAD]  }
0x31: {  	[smem:$0x3FB6] =	sst s10  }
0x32: {  	s10 =	sld [smem:$0x3FB4];
	_ =	sdelay $0x3  }
0x33: {  	p0 =	seq.s32 s10, $0x1;
	s10 =	sld [smem:$0x3FB6];
	_ =	sdelay $0x3  }
0x34: {  	[smem:$0x3FB6] =	sst s10  }
0x35: {  	s10 =	sld [smem:$0x3FB5];
	_ =	sdelay $0x3  }
0x36: {  	p1 =	seq.s32 s10, $0x1;
	s10 =	sld [smem:$0x3FB6];
	_ =	sdelay $0x3  }
0x37: {  	[smem:$0x3FB6] =	sst s10  }
0x38: {  	s10 =	sld [smem:$0x3FB7]  }
0x39: {  	_ = 	snop;
	(pc) =	sbr.ind lr, $3  }
0x3a: {  	_ = 	snop  }
0x3b: {  	_ = 	snop  }
0x3c: {  	p2 =	seq.s32 s10, $0x1;
	s10 =	sld [smem:$0x3FB6]  }
0x3d: {  	_ =	shalt  }
0x3e: {  	_ =	shalt  }
0x3f: {  	_ =	shalt  }
0x40: {  	_ =	shalt  }
0x41: {  	_ =	shalt  }
0x42: {  	_ =	shalt  }
0x43: {  	_ =	shalt  }
0x44: {  	_ =	shalt  }
0x45: {  	_ =	shalt  }
0x46: {  	_ =	shalt  }
0x47: {  	_ =	shalt  }
0x48: {  	_ =	shalt  }
0x49: {  	_ =	shalt  }
0x4a: {  	_ =	shalt  }
0x4b: {  	_ =	shalt  }
0x4c: {  	_ =	shalt  }
0x4d: {  	_ =	shalt  }
0x4e: {  	_ =	shalt  }
0x4f: {  	_ =	shalt  }
0x50: {  	_ =	shalt  }
0x51: {  	_ =	shalt  }
0x52: {  	_ =	shalt  }
0x53: {  	_ =	shalt  }
0x54: {  	_ =	shalt  }
0x55: {  	_ =	shalt  }
0x56: {  	_ =	shalt  }
0x57: {  	_ =	shalt  }
0x58: {  	_ =	shalt  }
0x59: {  	_ =	shalt  }
0x5a: {  	_ =	shalt  }
0x5b: {  	_ =	shalt  }
0x5c: {  	_ =	shalt  }
0x5d: {  	_ =	shalt  }
0x5e: {  	_ =	shalt  }
0x5f: {  	_ =	shalt  }
0x60: {  	_ =	shalt  }
0x61: {  	_ =	shalt  }
0x62: {  	_ =	shalt  }
0x63: {  	_ =	shalt  }
0x64: {  	_ =	shalt  }
0x65: {  	_ =	shalt  }
0x66: {  	_ =	shalt  }
0x67: {  	_ =	shalt  }
0x68: {  	_ =	shalt  }
0x69: {  	_ =	shalt  }
0x6a: {  	_ =	shalt  }
0x6b: {  	_ =	shalt  }
0x6c: {  	_ =	shalt  }
0x6d: {  	_ =	shalt  }
0x6e: {  	_ =	shalt  }
0x6f: {  	_ =	shalt  }
0x70: {  	_ =	shalt  }
0x71: {  	_ =	shalt  }
0x72: {  	_ =	shalt  }
0x73: {  	_ =	shalt  }
0x74: {  	_ =	shalt  }
0x75: {  	_ =	shalt  }
0x76: {  	_ =	shalt  }
0x77: {  	_ =	shalt  }
0x78: {  	_ =	shalt  }
0x79: {  	_ =	shalt  }
0x7a: {  	_ =	shalt  }
0x7b: {  	_ =	shalt  }
0x7c: {  	_ =	shalt  }
0x7d: {  	_ =	shalt  }
0x7e: {  	_ =	shalt  }
0x7f: {  	_ =	shalt  }
0x80: {  	_ =	shalt  }
0x81: {  	_ =	shalt  }
0x82: {  	_ =	shalt  }
0x83: {  	_ =	shalt  }
0x84: {  	_ =	shalt  }
0x85: {  	_ =	shalt  }
0x86: {  	_ =	shalt  }
0x87: {  	_ =	shalt  }
.Lfunc_end0:
.L_simem_size_0:
called_computation_lowered:
.L_overlay_start_0:
0x88: {  	s2 =	sld [smem:$0x3FD9]  }
0x89: {  	s3 =	sld [smem:$0x3FFE];
	_ =	sdelay $0x1  }
0x8a: {  	s1 =	srdreg.scid  }
0x8b: {  	s0 =	sand.u32 $0x1, s1  }
0x8c: {  	s17 =	sshll.u32 s0, $0xA;
	s2 =	sadd.s32 s3, s2  }
0x8d: {  	s2 =	sadd.s32 s2, s17  }
0x8e: {  	[smem:$0x3FC2] =	sst s2  }
0x8f: {  	_ = 	snop  }
0x90: {  	s18 =	sld [smem:$0x3FC8];
	(tm) =	ssettm $0x1  }
0x91: {  	s19 =	sld [smem:$0x3FFB];
	_ =	sdelay $0x3  }
0x92: {  	_ =	strace s19  }
0x93: {  	s2 =	sld [smem:$0x3FFC];
	_ =	sdelay $0x3  }
0x94: {  	_ =	strace s2  }
0x95: {  	s2 =	sld [smem:$0x3FFD];
	_ =	sdelay $0x3  }
0x96: {  	_ =	strace s2  }
0x97: {  	_ =	strace $0x8FFFFFFF  }
0x98: {  	s20 =	sld [smem:$0x3FDB];
	_ =	sdelay $0x1  }
0x99: {  	s4 =	simm.s32 $_scs_section_size  }
0x9a: {  	s5 =	simm.s32 $_size__tile_overlayer_lowered;
	s6 =	simm.s32 $_tile_overlayer_lowered  }
0x9b: {  	s7 =	simm.s32 $0x1BFF;
	s21 =	sshll.u32 s6, $0x1;
	s4 =	sadd.s32 s4, s20  }
0x9c: {  	s22 =	simm.s32 $0x0;
	s5 =	sshll.u32 s5, $0x1;
	s6 =	sadd.s32 s21, s4  }
0x9d: {  	[timem:s22], [sflag:s7] =	dma.local [hbm:s6], s5  }
0x9e: {  	_ =	swait.ge [sflag:s7], s5  }
0x9f: {  	s5 =	ssub.s32 $0x0, s5;
	[sflag:s7] =	ssyncset.done $0x0  }
0xa0: {  	[sflag:s7] =	ssyncadd.s32 s5;
	_ =	sdelay $0x1  }
0xa1: {  	s23 =	simm.s32 $0x1B8B  }
0xa2: {  	_ =	swait.ge [sflag:s23], $0x1  }
0xa3: {  	[sflag:s23] =	ssyncset.done $0x0  }
0xa4: {  	[sflag:s23] =	ssyncadd.s32 $0xFFFFFFFF  }
0xa5: {  	s5 =	sld [smem:$0x0]  }
0xa6: {  	s6 =	sand.u32 $0xFFFFFFFE, s1  }
0xa7: {  	p0 =	sne.s32 s1, s6  }
0xa8: {  	s6 =	sshll.u32 @p0 s6, $0xE  }
0xa9: {  	s6 =	sadd.s32 @p0 $0x11B8D, s6;
	s7 =	sshll.u32 @p0 s5, $0x11  }
0xaa: {  	s6 =	sor.u32 @p0 s7, s6  }
0xab: {  	[sflag:s6] =	ssyncadd.remote.s32 @p0 $0x1;
	_ =	sdelay $0x1  }
0xac: {  	s6 =	simm.s32 @p0 $0x1B8D  }
0xad: {  	_ =	swait.eq @p0 [sflag:s6], $0x1  }
0xae: {  	[sflag:s6] =	ssyncadd.s32 @p0 $0xFFFFFFFF  }
0xaf: {  	s7 =	sshll.u32 @!p0 s1, $0xE  }
0xb0: {  	s7 =	sor.u32 @!p0 $0x4000, s7;
	s6 =	simm.s32 @!p0 $0x1B8D  }
0xb1: {  	s5 =	sshll.u32 @!p0 s5, $0x11;
	s7 =	sadd.s32 @!p0 $0x11B8D, s7;
	_ =	swait.eq @!p0 [sflag:s6], $0x1  }
0xb2: {  	s5 =	sor.u32 @!p0 s5, s7;
	[sflag:s6] =	ssyncadd.s32 @!p0 $0xFFFFFFFF  }
0xb3: {  	s25 =	simm.s32 $0x1B8E;
	s24 =	sld [smem:$0x3FFE];
	[sflag:s5] =	ssyncadd.remote.s32 @!p0 $0x1  }
0xb4: {  	s26 =	simm.s32 $execute0_lowered;
	[smem:$0x3FD2] =	sst s25  }
0xb5: {  	s6 =	sshll.u32 s26, $0x1;
	_ =	strace $0x80000049;
	[dreg:$0x1] =	wrdreg $0xFFFFFFFF  }
0xb6: {  	s28 =	simm.s32 $_size_execute0_lowered;
	s4 =	sadd.s32 s4, s6;
	[dreg:$0x0] =	wrdreg $0x0  }
0xb7: {  	s6 =	sshll.u32 s28, $0x1;
	[dreg:$0x2] =	wrdreg s4  }
0xb8: {  	[dreg:$0x3] =	wrdreg s6  }
0xb9: {  	[dreg:$0x4] =	wrdreg $0xC0  }
0xba: {  	_ =	task [dreg:s22], $0x5FFFF  }
0xbb: {  	[dreg:$0x1] =	wrdreg $0xFFFFFFFF  }
0xbc: {  	[dreg:$0x0] =	wrdreg $0x60  }
0xbd: {  	[dreg:$0x2] =	wrdreg s24  }
0xbe: {  	[dreg:$0x3] =	wrdreg s18  }
0xbf: {  	[dreg:$0x4] =	wrdreg $0x9  }
0xc0: {  	_ =	task.clear_ibuf [dreg:s22], $0x5FFFF;
	_ =	strace $0x90000049  }
0xc1: {  	s29 =	simm.s32 $0x9;
	_ =	strace $0x8000004B  }
0xc2: {  	_ =	swait.ge [sflag:s29], $0x1  }
0xc3: {  	[sflag:s29] =	ssyncadd.s32 $0xFFFFFFFF  }
0xc4: {  	_ =	strace $0x9000004B  }
0xc5: {  	_ =	sfence  }
0xc6: {  	s30 =	sld [smem:$0x0];
	_ =	sdelay $0x2  }
0xc7: {  	s31 =	sshll.u32 s1, $0xD;
	s1 =	sshrl.u32 s1, $0x2  }
0xc8: {  	s4 =	sand.u32 $0x4000, s31;
	s1 =	sadd.s32 s1, s30  }
0xc9: {  	s0 =	sor.u32 s4, s0;
	s1 =	sshll.u32 s1, $0x11  }
0xca: {  	s0 =	sor.u32 s1, s0  }
0xcb: {  	s0 =	sadd.s32 $0x8F2B, s0  }
0xcc: {  	[sflag:s0] =	ssyncadd.remote.s32 $0x1  }
0xcd: {  	_ =	sfence.sel $0xFFFF  }
0xce: {  	[dreg:$0x0] =	wrdreg $0xFFFFFFFF;
	(pc) =	sbr.abs _section_cstart, $3  }
0xcf: {  	[dreg:$0x1] =	wrdreg $0xFFFFFFFF  }
0xd0: {  	_ =	task.clear_ibuf [dreg:s22], $0x2FFFF;
	_ =	strace $0x9FFFFFFF  }
0xd1: {  	(tm) =	ssettm $0x7FFFFFFF  }
tec
execute0_lowered:
.L_overlay_start_1:
0x0: {  	(tag) =	ssettag $0x1  }
0x1: {  	s1 =	srdreg.scid;
	s4 =	rddreg [dreg:$0x0]  }
0x2: {  	s0 =	stileid.u32;
	s2 =	rddreg [dreg:$0x1];
	s16 =	simm.s32 $0x900  }
0x3: {  	s17 =	simm.s32 $0x1100;
	s18 =	simm.s32 $0x1900;
	s19 =	simm.s32 $0x2100  }
0x4: {  	s20 =	simm.s32 $0x2900;
	s21 =	simm.s32 $0x3100;
	s1 =	sand.u32 $0x1, s1  }
0x5: {  	s23 =	simm.s32 $0x3900;
	s3 =	sshll.u32 s0, $0x9;
	s5 =	sshll.u32 s1, $0x8  }
0x6: {  	s24 =	simm.s32 $0x4100;
	s5 =	sor.u32 s5, s3;
	s3 =	simm.s32 $0x0  }
0x7: {  	s25 =	simm.s32 $0x4900;
	s26 =	simm.s32 $0x5100;
	[smem:$0x7FF] =	sst s3  }
0x8: {  	s8 =	simm.s32 $0x6100;
	_ =	strace $0x8000004A;
	[dreg:$0x6] =	wrdreg s16  }
0x9: {  	s9 =	simm.s32 $0x6900;
	s10 =	simm.s32 $0x7100;
	[dreg:$0x7] =	wrdreg s17  }
0xa: {  	s11 =	simm.s32 $0x7900;
	s12 =	simm.s32 $0x8100;
	[dreg:$0x8] =	wrdreg s18  }
0xb: {  	s13 =	simm.s32 $0x8900;
	s28 =	simm.s32 $0xF900;
	[dreg:$0x9] =	wrdreg s19  }
0xc: {  	s29 =	simm.s32 $0x1;
	s30 =	simm.s32 $0x2;
	[dreg:$0xa] =	wrdreg s20  }
0xd: {  	s31 =	simm.s32 $0x3;
	s1 =	ssub.s32 $0x2, s1;
	[dreg:$0xb] =	wrdreg s21  }
0xe: {  	s22 =	sshrl.u32 s1, $0x1;
	s6 =	sshrl.u32 s5, $0x3;
	[dreg:$0xc] =	wrdreg s23  }
0xf: {  	s5 =	sshll.u32 s5, $0x5;
	s1 =	ssub.s32 s1, s22;
	[dreg:$0xd] =	wrdreg s24  }
0x10: {  	s22 =	simm.s32 $0xD100;
	s6 =	sadd.s32 s6, s4;
	[dreg:$0xe] =	wrdreg s25  }
0x11: {  	s4 =	sadd.s32 s5, s4;
	s5 =	simm.s32 $0x5;
	[dreg:$0xf] =	wrdreg s26  }
0x12: {  	s16 =	simm.s32 $0xA100;
	s17 =	simm.s32 $0xA900;
	s18 =	simm.s32 $0xB100  }
0x13: {  	s19 =	simm.s32 $0xB900;
	s20 =	simm.s32 $0xC100;
	s21 =	simm.s32 $0xC900  }
0x14: {  	s23 =	simm.s32 $0xD900;
	s24 =	simm.s32 $0xE100;
	s14 =	sadd.s32 $0x41600, s6  }
0x15: {  	s25 =	simm.s32 $0xE900;
	s15 =	sadd.s32 $0x41A00, s4;
	[dreg:$0x3] =	wrdreg s14  }
0x16: {  	v2 =	vlaneseq.u32;
	s26 =	simm.s32 $0xF100;
	s4 =	sadd.s32 $0x42A00, s4;
	[dreg:$0x4] =	wrdreg s15  }
0x17: {  	vm0 =	vmmov $0xffff;
	v1 =	vshrl.u32 v2, $0x3;
	s6 =	simm.s32 $0x100;
	[dreg:$0x5] =	wrdreg s4;
	s4 =	smax.u32 s1, $0x1  }
0x18: {  	v0 =	vand.u32 $0x7, v2;
	v2 =	vor.u32 $0x8, v2;
	v1 =	vmul.u32 $0x8, v1;
	s14 =	simm.s32 $0x9100;
	s15 =	simm.s32 $0x9900;
	s1 =	simm.s32 $0x4  }
.LBB2_1:
0x19: {  	s0 =	rddreg [dreg:$0x3]  }
0x1a: {  	[tilespmem:s3], [sflag:$0x5] =	stream.linear.gather [hbm4b:s0+s3], $0x100, $0x38;
	[tilespmem:$0x10100] =	vst v63  }
0x1b: {  	_ =	swait.ge [sflag:s5], $0x100  }
0x1c: {  	[sflag:s5] =	ssyncset.done $0x0  }
0x1d: {  	[sflag:s5] =	ssyncadd.s32 $0xFFFFFF00  }
0x1e: {  	v3 =	vld [tilespmem:$0x0];
	_ =	sdelay $0x4  }
0x1f: {  	v4 =	vshll.u32 v3, $0x1  }
0x20: {  	v3 =	vand.u32 $0x7, v3;
	v4 =	vand.u32 $0xFFFFFFF0, v4  }
0x21: {  	v3 =	vor.u32 v3, v4  }
0x22: {  	v4 =	vperm.xlane v3, v0;
	_ =	sdelay $0x1  }
0x23: {  	v3 =	vperm.xlane v3, v2;
	v4 =	vadd.s32 v1, v4;
	_ =	sdelay $0x1  }
0x24: {  	v3 =	vadd.s32 v1, v3;
	_ =	sdelay $0x2  }
0x25: {  	[tilespmem:s6], [sflag:$0x1] =	stream.indirect_vreg.gather [hbm4b:s2+s3], $0x80, v4, vm0, $0xb8;
	[tilespmem:$0x10100] =	vst v63  }
0x26: {  	s7 =	rddreg [dreg:$0x6]  }
0x27: {  	[tilespmem:s7], [sflag:$0x1] =	stream.indirect_vreg.gather [hbm4b:s2+s3], $0x80, v3, vm0, $0xb8;
	[tilespmem:$0x10100] =	vst v63  }
0x28: {  	v3 =	vld [tilespmem:$0x10];
	_ =	sdelay $0x4  }
0x29: {  	v49 =	vshll.u32 v3, $0x1  }
0x2a: {  	v3 =	vand.u32 $0x7, v3;
	v4 =	vand.u32 $0xFFFFFFF0, v49  }
0x2b: {  	v3 =	vor.u32 v3, v4  }
0x2c: {  	v4 =	vperm.xlane v3, v0;
	_ =	sdelay $0x1  }
0x2d: {  	v3 =	vperm.xlane v3, v2;
	v4 =	vadd.s32 v1, v4;
	_ =	sdelay $0x1  }
0x2e: {  	v3 =	vadd.s32 v1, v3;
	_ =	sdelay $0x1  }
0x2f: {  	s0 =	rddreg [dreg:$0x7]  }
0x30: {  	[tilespmem:s0], [sflag:$0x1] =	stream.indirect_vreg.gather [hbm4b:s2+s3], $0x80, v4, vm0, $0xb8;
	[tilespmem:$0x10100] =	vst v63  }
0x31: {  	s7 =	rddreg [dreg:$0x8]  }
0x32: {  	[tilespmem:s7], [sflag:$0x1] =	stream.indirect_vreg.gather [hbm4b:s2+s3], $0x80, v3, vm0, $0xb8;
	[tilespmem:$0x10100] =	vst v63  }
0x33: {  	v3 =	vld [tilespmem:$0x20];
	_ =	sdelay $0x4  }
0x34: {  	v50 =	vshll.u32 v3, $0x1  }
0x35: {  	v3 =	vand.u32 $0x7, v3;
	v4 =	vand.u32 $0xFFFFFFF0, v50  }
0x36: {  	v3 =	vor.u32 v3, v4  }
0x37: {  	v4 =	vperm.xlane v3, v0;
	_ =	sdelay $0x1  }
0x38: {  	v3 =	vperm.xlane v3, v2;
	v4 =	vadd.s32 v1, v4;
	_ =	sdelay $0x1  }
0x39: {  	v3 =	vadd.s32 v1, v3;
	_ =	sdelay $0x1  }
0x3a: {  	s0 =	rddreg [dreg:$0x9]  }
0x3b: {  	[tilespmem:s0], [sflag:$0x1] =	stream.indirect_vreg.gather [hbm4b:s2+s3], $0x80, v4, vm0, $0xb8;
	[tilespmem:$0x10100] =	vst v63  }
0x3c: {  	s7 =	rddreg [dreg:$0xa]  }
0x3d: {  	[tilespmem:s7], [sflag:$0x1] =	stream.indirect_vreg.gather [hbm4b:s2+s3], $0x80, v3, vm0, $0xb8;
	[tilespmem:$0x10100] =	vst v63  }
0x3e: {  	v3 =	vld [tilespmem:$0x30];
	_ =	sdelay $0x4  }
0x3f: {  	v51 =	vshll.u32 v3, $0x1  }
0x40: {  	v3 =	vand.u32 $0x7, v3;
	v4 =	vand.u32 $0xFFFFFFF0, v51  }
0x41: {  	v3 =	vor.u32 v3, v4  }
0x42: {  	v4 =	vperm.xlane v3, v0;
	_ =	sdelay $0x1  }
0x43: {  	v3 =	vperm.xlane v3, v2;
	v4 =	vadd.s32 v1, v4;
	_ =	sdelay $0x1  }
0x44: {  	v3 =	vadd.s32 v1, v3;
	_ =	sdelay $0x1  }
0x45: {  	s0 =	rddreg [dreg:$0xb]  }
0x46: {  	[tilespmem:s0], [sflag:$0x1] =	stream.indirect_vreg.gather [hbm4b:s2+s3], $0x80, v4, vm0, $0xb8;
	[tilespmem:$0x10100] =	vst v63  }
0x47: {  	s7 =	rddreg [dreg:$0xc]  }
0x48: {  	[tilespmem:s7], [sflag:$0x1] =	stream.indirect_vreg.gather [hbm4b:s2+s3], $0x80, v3, vm0, $0xb8;
	[tilespmem:$0x10100] =	vst v63  }
0x49: {  	v3 =	vld [tilespmem:$0x40];
	_ =	sdelay $0x4  }
0x4a: {  	v52 =	vshll.u32 v3, $0x1  }
0x4b: {  	v3 =	vand.u32 $0x7, v3;
	v4 =	vand.u32 $0xFFFFFFF0, v52  }
0x4c: {  	v3 =	vor.u32 v3, v4  }
0x4d: {  	v4 =	vperm.xlane v3, v0;
	_ =	sdelay $0x1  }
0x4e: {  	v3 =	vperm.xlane v3, v2;
	v4 =	vadd.s32 v1, v4;
	_ =	sdelay $0x1  }
0x4f: {  	v3 =	vadd.s32 v1, v3;
	_ =	sdelay $0x1  }
0x50: {  	s0 =	rddreg [dreg:$0xd]  }
0x51: {  	[tilespmem:s0], [sflag:$0x1] =	stream.indirect_vreg.gather [hbm4b:s2+s3], $0x80, v4, vm0, $0xb8;
	[tilespmem:$0x10100] =	vst v63  }
0x52: {  	s7 =	rddreg [dreg:$0xe]  }
0x53: {  	[tilespmem:s7], [sflag:$0x1] =	stream.indirect_vreg.gather [hbm4b:s2+s3], $0x80, v3, vm0, $0xb8;
	[tilespmem:$0x10100] =	vst v63  }
0x54: {  	v3 =	vld [tilespmem:$0x50];
	_ =	sdelay $0x4  }
0x55: {  	v53 =	vshll.u32 v3, $0x1  }
0x56: {  	v3 =	vand.u32 $0x7, v3;
	v4 =	vand.u32 $0xFFFFFFF0, v53  }
0x57: {  	v3 =	vor.u32 v3, v4  }
0x58: {  	v4 =	vperm.xlane v3, v0;
	_ =	sdelay $0x1  }
0x59: {  	v3 =	vperm.xlane v3, v2;
	v4 =	vadd.s32 v1, v4;
	_ =	sdelay $0x1  }
0x5a: {  	v3 =	vadd.s32 v1, v3;
	_ =	sdelay $0x1  }
0x5b: {  	s7 =	rddreg [dreg:$0xf]  }
0x5c: {  	[tilespmem:s7], [sflag:$0x1] =	stream.indirect_vreg.gather [hbm4b:s2+s3], $0x80, v4, vm0, $0xb8;
	[tilespmem:$0x10100] =	vst v63  }
0x5d: {  	s7 =	simm.s32 $0x5900  }
0x5e: {  	[tilespmem:s7], [sflag:$0x1] =	stream.indirect_vreg.gather [hbm4b:s2+s3], $0x80, v3, vm0, $0xb8;
	[tilespmem:$0x10100] =	vst v63  }
0x5f: {  	v3 =	vld [tilespmem:$0x60];
	_ =	sdelay $0x4  }
0x60: {  	v54 =	vshll.u32 v3, $0x1  }
0x61: {  	v3 =	vand.u32 $0x7, v3;
	v4 =	vand.u32 $0xFFFFFFF0, v54  }
0x62: {  	v3 =	vor.u32 v3, v4  }
0x63: {  	v4 =	vperm.xlane v3, v0;
	_ =	sdelay $0x1  }
0x64: {  	v3 =	vperm.xlane v3, v2;
	v4 =	vadd.s32 v1, v4;
	_ =	sdelay $0x1  }
0x65: {  	v3 =	vadd.s32 v1, v3;
	_ =	sdelay $0x2  }
0x66: {  	[tilespmem:s8], [sflag:$0x1] =	stream.indirect_vreg.gather [hbm4b:s2+s3], $0x80, v4, vm0, $0xb8;
	[tilespmem:$0x10100] =	vst v63  }
0x67: {  	_ = 	snop  }
0x68: {  	[tilespmem:s9], [sflag:$0x1] =	stream.indirect_vreg.gather [hbm4b:s2+s3], $0x80, v3, vm0, $0xb8;
	[tilespmem:$0x10100] =	vst v63  }
0x69: {  	v3 =	vld [tilespmem:$0x70];
	_ =	sdelay $0x4  }
0x6a: {  	v55 =	vshll.u32 v3, $0x1  }
0x6b: {  	v3 =	vand.u32 $0x7, v3;
	v4 =	vand.u32 $0xFFFFFFF0, v55  }
0x6c: {  	v3 =	vor.u32 v3, v4  }
0x6d: {  	v4 =	vperm.xlane v3, v0;
	_ =	sdelay $0x1  }
0x6e: {  	v3 =	vperm.xlane v3, v2;
	v4 =	vadd.s32 v1, v4;
	_ =	sdelay $0x1  }
0x6f: {  	v3 =	vadd.s32 v1, v3;
	_ =	sdelay $0x2  }
0x70: {  	[tilespmem:s10], [sflag:$0x1] =	stream.indirect_vreg.gather [hbm4b:s2+s3], $0x80, v4, vm0, $0xb8;
	[tilespmem:$0x10100] =	vst v63  }
0x71: {  	_ = 	snop  }
0x72: {  	[tilespmem:s11], [sflag:$0x1] =	stream.indirect_vreg.gather [hbm4b:s2+s3], $0x80, v3, vm0, $0xb8;
	[tilespmem:$0x10100] =	vst v63  }
0x73: {  	v3 =	vld [tilespmem:$0x80];
	_ =	sdelay $0x4  }
0x74: {  	v56 =	vshll.u32 v3, $0x1  }
0x75: {  	v3 =	vand.u32 $0x7, v3;
	v4 =	vand.u32 $0xFFFFFFF0, v56  }
0x76: {  	v3 =	vor.u32 v3, v4  }
0x77: {  	v4 =	vperm.xlane v3, v0;
	_ =	sdelay $0x1  }
0x78: {  	v3 =	vperm.xlane v3, v2;
	v4 =	vadd.s32 v1, v4;
	_ =	sdelay $0x1  }
0x79: {  	v3 =	vadd.s32 v1, v3;
	_ =	sdelay $0x2  }
0x7a: {  	[tilespmem:s12], [sflag:$0x2] =	stream.indirect_vreg.gather [hbm4b:s2+s3], $0x80, v4, vm0, $0xb8;
	[tilespmem:$0x10100] =	vst v63  }
0x7b: {  	_ = 	snop  }
0x7c: {  	[tilespmem:s13], [sflag:$0x2] =	stream.indirect_vreg.gather [hbm4b:s2+s3], $0x80, v3, vm0, $0xb8;
	[tilespmem:$0x10100] =	vst v63  }
0x7d: {  	v3 =	vld [tilespmem:$0x90];
	_ =	sdelay $0x4  }
0x7e: {  	v57 =	vshll.u32 v3, $0x1  }
0x7f: {  	v3 =	vand.u32 $0x7, v3;
	v4 =	vand.u32 $0xFFFFFFF0, v57  }
0x80: {  	v3 =	vor.u32 v3, v4  }
0x81: {  	v4 =	vperm.xlane v3, v0;
	_ =	sdelay $0x1  }
0x82: {  	v3 =	vperm.xlane v3, v2;
	v4 =	vadd.s32 v1, v4;
	_ =	sdelay $0x1  }
0x83: {  	v3 =	vadd.s32 v1, v3;
	_ =	sdelay $0x2  }
0x84: {  	[tilespmem:s14], [sflag:$0x2] =	stream.indirect_vreg.gather [hbm4b:s2+s3], $0x80, v4, vm0, $0xb8;
	[tilespmem:$0x10100] =	vst v63  }
0x85: {  	_ = 	snop  }
0x86: {  	[tilespmem:s15], [sflag:$0x2] =	stream.indirect_vreg.gather [hbm4b:s2+s3], $0x80, v3, vm0, $0xb8;
	[tilespmem:$0x10100] =	vst v63  }
0x87: {  	v3 =	vld [tilespmem:$0xA0];
	_ =	sdelay $0x4  }
0x88: {  	v58 =	vshll.u32 v3, $0x1  }
0x89: {  	v3 =	vand.u32 $0x7, v3;
	v4 =	vand.u32 $0xFFFFFFF0, v58  }
0x8a: {  	v3 =	vor.u32 v3, v4  }
0x8b: {  	v4 =	vperm.xlane v3, v0;
	_ =	sdelay $0x1  }
0x8c: {  	v3 =	vperm.xlane v3, v2;
	v4 =	vadd.s32 v1, v4;
	_ =	sdelay $0x1  }
0x8d: {  	v3 =	vadd.s32 v1, v3;
	_ =	sdelay $0x2  }
0x8e: {  	[tilespmem:s16], [sflag:$0x2] =	stream.indirect_vreg.gather [hbm4b:s2+s3], $0x80, v4, vm0, $0xb8;
	[tilespmem:$0x10100] =	vst v63  }
0x8f: {  	_ = 	snop  }
0x90: {  	[tilespmem:s17], [sflag:$0x2] =	stream.indirect_vreg.gather [hbm4b:s2+s3], $0x80, v3, vm0, $0xb8;
	[tilespmem:$0x10100] =	vst v63  }
0x91: {  	v3 =	vld [tilespmem:$0xB0];
	_ =	sdelay $0x4  }
0x92: {  	v59 =	vshll.u32 v3, $0x1  }
0x93: {  	v3 =	vand.u32 $0x7, v3;
	v4 =	vand.u32 $0xFFFFFFF0, v59  }
0x94: {  	v3 =	vor.u32 v3, v4  }
0x95: {  	v4 =	vperm.xlane v3, v0;
	_ =	sdelay $0x1  }
0x96: {  	v3 =	vperm.xlane v3, v2;
	v4 =	vadd.s32 v1, v4;
	_ =	sdelay $0x1  }
0x97: {  	v3 =	vadd.s32 v1, v3;
	_ =	sdelay $0x2  }
0x98: {  	[tilespmem:s18], [sflag:$0x2] =	stream.indirect_vreg.gather [hbm4b:s2+s3], $0x80, v4, vm0, $0xb8;
	[tilespmem:$0x10100] =	vst v63  }
0x99: {  	_ = 	snop  }
0x9a: {  	[tilespmem:s19], [sflag:$0x2] =	stream.indirect_vreg.gather [hbm4b:s2+s3], $0x80, v3, vm0, $0xb8;
	[tilespmem:$0x10100] =	vst v63  }
0x9b: {  	v3 =	vld [tilespmem:$0xC0];
	_ =	sdelay $0x4  }
0x9c: {  	v60 =	vshll.u32 v3, $0x1  }
0x9d: {  	v3 =	vand.u32 $0x7, v3;
	v4 =	vand.u32 $0xFFFFFFF0, v60  }
0x9e: {  	v3 =	vor.u32 v3, v4  }
0x9f: {  	v4 =	vperm.xlane v3, v0;
	_ =	sdelay $0x1  }
0xa0: {  	v3 =	vperm.xlane v3, v2;
	v4 =	vadd.s32 v1, v4;
	_ =	sdelay $0x1  }
0xa1: {  	v3 =	vadd.s32 v1, v3;
	_ =	sdelay $0x2  }
0xa2: {  	[tilespmem:s20], [sflag:$0x2] =	stream.indirect_vreg.gather [hbm4b:s2+s3], $0x80, v4, vm0, $0xb8;
	[tilespmem:$0x10100] =	vst v63  }
0xa3: {  	_ = 	snop  }
0xa4: {  	[tilespmem:s21], [sflag:$0x2] =	stream.indirect_vreg.gather [hbm4b:s2+s3], $0x80, v3, vm0, $0xb8;
	[tilespmem:$0x10100] =	vst v63  }
0xa5: {  	v3 =	vld [tilespmem:$0xD0];
	_ =	sdelay $0x4  }
0xa6: {  	v61 =	vshll.u32 v3, $0x1  }
0xa7: {  	v3 =	vand.u32 $0x7, v3;
	v4 =	vand.u32 $0xFFFFFFF0, v61  }
0xa8: {  	v3 =	vor.u32 v3, v4  }
0xa9: {  	v4 =	vperm.xlane v3, v0;
	_ =	sdelay $0x1  }
0xaa: {  	v3 =	vperm.xlane v3, v2;
	v4 =	vadd.s32 v1, v4;
	_ =	sdelay $0x1  }
0xab: {  	v3 =	vadd.s32 v1, v3;
	_ =	sdelay $0x2  }
0xac: {  	[tilespmem:s22], [sflag:$0x2] =	stream.indirect_vreg.gather [hbm4b:s2+s3], $0x80, v4, vm0, $0xb8;
	[tilespmem:$0x10100] =	vst v63  }
0xad: {  	_ = 	snop  }
0xae: {  	[tilespmem:s23], [sflag:$0x2] =	stream.indirect_vreg.gather [hbm4b:s2+s3], $0x80, v3, vm0, $0xb8;
	[tilespmem:$0x10100] =	vst v63  }
0xaf: {  	v3 =	vld [tilespmem:$0xE0];
	_ =	sdelay $0x4  }
0xb0: {  	v62 =	vshll.u32 v3, $0x1  }
0xb1: {  	v3 =	vand.u32 $0x7, v3;
	v4 =	vand.u32 $0xFFFFFFF0, v62  }
0xb2: {  	v3 =	vor.u32 v3, v4  }
0xb3: {  	v4 =	vperm.xlane v3, v0;
	_ =	sdelay $0x1  }
0xb4: {  	v3 =	vperm.xlane v3, v2;
	v4 =	vadd.s32 v1, v4;
	_ =	sdelay $0x1  }
0xb5: {  	v3 =	vadd.s32 v1, v3;
	_ =	sdelay $0x2  }
0xb6: {  	[tilespmem:s24], [sflag:$0x2] =	stream.indirect_vreg.gather [hbm4b:s2+s3], $0x80, v4, vm0, $0xb8;
	[tilespmem:$0x10100] =	vst v63  }
0xb7: {  	_ = 	snop  }
0xb8: {  	[tilespmem:s25], [sflag:$0x2] =	stream.indirect_vreg.gather [hbm4b:s2+s3], $0x80, v3, vm0, $0xb8;
	[tilespmem:$0x10100] =	vst v63  }
0xb9: {  	v3 =	vld [tilespmem:$0xF0];
	_ =	sdelay $0x4  }
0xba: {  	v63 =	vshll.u32 v3, $0x1  }
0xbb: {  	v3 =	vand.u32 $0x7, v3;
	v4 =	vand.u32 $0xFFFFFFF0, v63  }
0xbc: {  	v3 =	vor.u32 v3, v4  }
0xbd: {  	v4 =	vperm.xlane v3, v0;
	_ =	sdelay $0x1  }
0xbe: {  	v3 =	vperm.xlane v3, v2;
	v4 =	vadd.s32 v1, v4;
	_ =	sdelay $0x1  }
0xbf: {  	v3 =	vadd.s32 v1, v3;
	_ =	sdelay $0x2  }
0xc0: {  	[tilespmem:s26], [sflag:$0x2] =	stream.indirect_vreg.gather [hbm4b:s2+s3], $0x80, v4, vm0, $0xb8;
	[tilespmem:$0x10100] =	vst v63  }
0xc1: {  	_ = 	snop  }
0xc2: {  	[tilespmem:s28], [sflag:$0x2] =	stream.indirect_vreg.gather [hbm4b:s2+s3], $0x80, v3, vm0, $0xb8;
	[tilespmem:$0x10100] =	vst v63  }
0xc3: {  	_ =	swait.ge [sflag:s29], $0x8000  }
0xc4: {  	[sflag:s29] =	ssyncset.done $0x0  }
0xc5: {  	s7 =	rddreg [dreg:$0x4];
	[sflag:s29] =	ssyncadd.s32 $0xFFFF8000  }
0xc6: {  	[hbm4b:s7+s3] =	stream.linear.scatter [tilespmem:s6], [sflag:$0x3], $0x8000, $0x38;
	[tilespmem:$0x10100] =	vst v63  }
0xc7: {  	_ =	swait.ge [sflag:s30], $0x8000  }
0xc8: {  	[sflag:s30] =	ssyncset.done $0x0  }
0xc9: {  	s7 =	rddreg [dreg:$0x5];
	[sflag:s30] =	ssyncadd.s32 $0xFFFF8000  }
0xca: {  	[hbm4b:s7+s3] =	stream.linear.scatter [tilespmem:s12], [sflag:$0x4], $0x8000, $0x38;
	[tilespmem:$0x10100] =	vst v63  }
0xcb: {  	p0 =	sne.s32 s4, $0x1;
	_ =	swait.ge [sflag:s31], $0x8000  }
.Ltmp0:
0xcc: {  	[sflag:s31] =	ssyncset.done $0x0;
	(pc) =	sbr.rel @p0 .LBB2_1-.Ltmp0, $4  }
0xcd: {  	[sflag:s31] =	ssyncadd.s32 $0xFFFF8000  }
0xce: {  	_ =	swait.ge [sflag:s1], $0x8000  }
0xcf: {  	[sflag:s1] =	ssyncset.done $0x0  }
0xd0: {  	s4 =	sadd.s32 $0xFFFFFFFF, s4;
	[sflag:s1] =	ssyncadd.s32 $0xFFFF8000  }
0xd1: {  	_ =	sfence.sel $0x180000  }
0xd2: {  	[bflag:$0x0] =	sbarrier.arrive $0xFFFF  }
0xd3: {  	_ =	strace $0x9000004A  }
0xd4: {  	s0 =	stileid.u32;
	[bflag:$0x2] =	sbarrier.arrive $0xFFFF  }
0xd5: {  	p0 =	sne.s32 s0, $0x0;
	s0 =	rddreg [dreg:$0x2]  }
0xd6: {  	s0 =	sadd.s32 @!p0 $0x100000, s0  }
0xd7: {  	[sflag:s0] =	ssyncadd.tile.s32 @!p0 $0x1;
	_ =	shalt  }
.Lfunc_end2:
_tile_overlayer_lowered:
.L_overlay_start_2:
0xd8: {  	(tag) =	ssettag $0x2  }
0xd9: {  	s0 =	rddreg [dreg:$0x0];
	s2 =	stileid.u32  }
0xda: {  	s1 =	rddreg [dreg:$0x1];
	p0 =	sne.s32 s2, $0x0  }
0xdb: {  	s3 =	rddreg [dreg:$0x2];
	[bflag:$0x3] =	sbarrier.arrive $0xFFFF;
	s2 =	simm.s32 @!p0 $0x1C05  }
0xdc: {  	[timem:s3], [sflag:s2] =	dma.local @!p0 [hbm:s0], s1  }
0xdd: {  	s0 =	simm.s32 @!p0 $0x5  }
0xde: {  	_ =	swait.ge @!p0 [sflag:s0], s1  }
0xdf: {  	s1 =	ssub.s32 @!p0 $0x0, s1;
	[sflag:s0] =	ssyncset.done @!p0 $0x0  }
0xe0: {  	[sflag:s0] =	ssyncadd.s32 @!p0 s1  }
0xe1: {  	[bflag:$0x3] =	sbarrier.arrive $0xFFFF  }
0xe2: {  	_ =	shalt  }

// kernel: kernel.9.cloned.1.call-start
scs
__scs_entry_jumppad:
0x0: {  	(pc) =	sbr.rel $0x88, $3  }
0x1: {  	(tag) =	ssettag $0x0;
	lr =	simm.s32 $0x1  }
0x2: {  	[smem:$0x3F9B] =	sst lr;
	_ =	strace $0xD0000000  }
0x3: {  	_ = 	snop  }
0x4: {  	_ = 	snop  }
0x5: {  	_ = 	snop  }
0x6: {  	_ = 	snop  }
0x7: {  	_ = 	snop  }
__scs_overlays_trampoline_lowered:
0x8: {  	[smem:$0x3FAA] =	sst s0  }
0x9: {  	[smem:$0x3FAB] =	sst s1  }
0xa: {  	[smem:$0x3FAC] =	sst s2  }
0xb: {  	[smem:$0x3FAD] =	sst s3  }
0xc: {  	[smem:$0x3FAE] =	sst s4  }
0xd: {  	[smem:$0x3FAF] =	sst s5  }
0xe: {  	[smem:$0x3FB0] =	sst s6  }
0xf: {  	[smem:$0x3FB1] =	sst s7  }
0x10: {  	[smem:$0x3FB2] =	sst s8  }
0x11: {  	[smem:$0x3FB3] =	sst s9;
	s0 =	simm.s32 @!p0 $0x0  }
0x12: {  	s1 =	sld [smem:$0x3F99];
	s0 =	simm.s32 @p0 $0x1  }
0x13: {  	[smem:$0x3FB4] =	sst s0;
	s0 =	simm.s32 @!p1 $0x0  }
0x14: {  	s2 =	sld [smem:$0x3F98];
	s0 =	simm.s32 @p1 $0x1  }
0x15: {  	[smem:$0x3FB5] =	sst s0;
	s0 =	simm.s32 @!p2 $0x0  }
0x16: {  	s3 =	sld [smem:$0x3FDB];
	s0 =	simm.s32 @p2 $0x1  }
0x17: {  	s4 =	simm.s32 $0x1BF5;
	[smem:$0x3FB7] =	sst s0  }
0x18: {  	s0 =	sld [smem:$0x3F9A];
	_ =	swait.ge [sflag:s4], $0x0  }
0x19: {  	s7 =	sld [smem:$0x3F9B]  }
0x1a: {  	s8 =	sadd.s32 $0xFFFFE003, lr  }
0x1b: {  	s9 =	sadd.s32 $0xFFFFFEF7, lr;
	s5 =	simm.s32 $0xFFFFFFFF;
	p2 =	slt.u32 s8, $0xFFFFF086  }
0x1c: {  	p1 =	slt.u32 s9, $0xF7A;
	s5 =	simm.s32 @!p2 $0x0  }
0x1d: {  	s5 =	simm.s32 @p1 $0x1;
	p0 =	seq.s32 s7, s2  }
0x1e: {  	s7 =	smul.u32 @!p0 $0xF7A, s2;
	p2 =	seq.s32 @!p0 s5, $0x0  }
0x1f: {  	s9 =	smul.u32 $0xF7A, s1;
	s8 =	simm.s32 @!p0 $0x1BF5;
	p2 =	por !p2, p0  }
0x20: {  	[sflag:s8] =	ssyncset.s32 @!p0 $0xFFFFF086;
	s6 =	sadd.s32 @!p0 s3, s7;
	s7 =	simm.s32 @!p0 $0x108  }
0x21: {  	s3 =	sadd.s32 s3, s9;
	s6 =	sadd.s32 @!p0 $0x88, s6;
	s7 =	simm.s32 @p2 $0x1082  }
0x22: {  	[simem:s7], [sflag:s8] =	dma.local @!p0 [hbm:s6], $0xF7A  }
0x23: {  	s9 =	sor.u32 $0xD0000000, s2;
	s6 =	simm.s32 $0x108;
	_ =	swait.ge @!p0 [sflag:s8], $0x0  }
0x24: {  	s3 =	sadd.s32 $0x88, s3;
	s6 =	simm.s32 @!p1 $0x1082;
	[sflag:s4] =	ssyncset.s32 $0xFFFFF086  }
0x25: {  	[simem:s6], [sflag:s4] =	dma.local [hbm:s3], $0xF7A  }
0x26: {  	[smem:$0x3F9B] =	sst s1;
	(tag) =	ssettag s2;
	_ =	strace s9  }
0x27: {  	s1 =	sld [smem:$0x3FAB]  }
0x28: {  	s2 =	sld [smem:$0x3FAC]  }
0x29: {  	s4 =	sld [smem:$0x3FAE]  }
0x2a: {  	p0 =	seq.s32 s5, $0x0;
	s5 =	sld [smem:$0x3FAF]  }
0x2b: {  	s6 =	sld [smem:$0x3FB0]  }
0x2c: {  	s7 =	sld [smem:$0x3FB1]  }
0x2d: {  	s3 =	simm.s32 $0x108;
	s8 =	sld [smem:$0x3FB2]  }
0x2e: {  	s3 =	simm.s32 @!p0 $0x1082;
	s9 =	sld [smem:$0x3FB3]  }
0x2f: {  	lr =	sadd.s32 s0, s3;
	s0 =	sld [smem:$0x3FAA]  }
0x30: {  	s3 =	sld [smem:$0x3FAD]  }
0x31: {  	[smem:$0x3FB6] =	sst s10  }
0x32: {  	s10 =	sld [smem:$0x3FB4];
	_ =	sdelay $0x3  }
0x33: {  	p0 =	seq.s32 s10, $0x1;
	s10 =	sld [smem:$0x3FB6];
	_ =	sdelay $0x3  }
0x34: {  	[smem:$0x3FB6] =	sst s10  }
0x35: {  	s10 =	sld [smem:$0x3FB5];
	_ =	sdelay $0x3  }
0x36: {  	p1 =	seq.s32 s10, $0x1;
	s10 =	sld [smem:$0x3FB6];
	_ =	sdelay $0x3  }
0x37: {  	[smem:$0x3FB6] =	sst s10  }
0x38: {  	s10 =	sld [smem:$0x3FB7]  }
0x39: {  	_ = 	snop;
	(pc) =	sbr.ind lr, $3  }
0x3a: {  	_ = 	snop  }
0x3b: {  	_ = 	snop  }
0x3c: {  	p2 =	seq.s32 s10, $0x1;
	s10 =	sld [smem:$0x3FB6]  }
0x3d: {  	_ =	shalt  }
0x3e: {  	_ =	shalt  }
0x3f: {  	_ =	shalt  }
0x40: {  	_ =	shalt  }
0x41: {  	_ =	shalt  }
0x42: {  	_ =	shalt  }
0x43: {  	_ =	shalt  }
0x44: {  	_ =	shalt  }
0x45: {  	_ =	shalt  }
0x46: {  	_ =	shalt  }
0x47: {  	_ =	shalt  }
0x48: {  	_ =	shalt  }
0x49: {  	_ =	shalt  }
0x4a: {  	_ =	shalt  }
0x4b: {  	_ =	shalt  }
0x4c: {  	_ =	shalt  }
0x4d: {  	_ =	shalt  }
0x4e: {  	_ =	shalt  }
0x4f: {  	_ =	shalt  }
0x50: {  	_ =	shalt  }
0x51: {  	_ =	shalt  }
0x52: {  	_ =	shalt  }
0x53: {  	_ =	shalt  }
0x54: {  	_ =	shalt  }
0x55: {  	_ =	shalt  }
0x56: {  	_ =	shalt  }
0x57: {  	_ =	shalt  }
0x58: {  	_ =	shalt  }
0x59: {  	_ =	shalt  }
0x5a: {  	_ =	shalt  }
0x5b: {  	_ =	shalt  }
0x5c: {  	_ =	shalt  }
0x5d: {  	_ =	shalt  }
0x5e: {  	_ =	shalt  }
0x5f: {  	_ =	shalt  }
0x60: {  	_ =	shalt  }
0x61: {  	_ =	shalt  }
0x62: {  	_ =	shalt  }
0x63: {  	_ =	shalt  }
0x64: {  	_ =	shalt  }
0x65: {  	_ =	shalt  }
0x66: {  	_ =	shalt  }
0x67: {  	_ =	shalt  }
0x68: {  	_ =	shalt  }
0x69: {  	_ =	shalt  }
0x6a: {  	_ =	shalt  }
0x6b: {  	_ =	shalt  }
0x6c: {  	_ =	shalt  }
0x6d: {  	_ =	shalt  }
0x6e: {  	_ =	shalt  }
0x6f: {  	_ =	shalt  }
0x70: {  	_ =	shalt  }
0x71: {  	_ =	shalt  }
0x72: {  	_ =	shalt  }
0x73: {  	_ =	shalt  }
0x74: {  	_ =	shalt  }
0x75: {  	_ =	shalt  }
0x76: {  	_ =	shalt  }
0x77: {  	_ =	shalt  }
0x78: {  	_ =	shalt  }
0x79: {  	_ =	shalt  }
0x7a: {  	_ =	shalt  }
0x7b: {  	_ =	shalt  }
0x7c: {  	_ =	shalt  }
0x7d: {  	_ =	shalt  }
0x7e: {  	_ =	shalt  }
0x7f: {  	_ =	shalt  }
0x80: {  	_ =	shalt  }
0x81: {  	_ =	shalt  }
0x82: {  	_ =	shalt  }
0x83: {  	_ =	shalt  }
0x84: {  	_ =	shalt  }
0x85: {  	_ =	shalt  }
0x86: {  	_ =	shalt  }
0x87: {  	_ =	shalt  }
.Lfunc_end0:
.L_simem_size_0:
called_computation.1_lowered:
.L_overlay_start_0:
0x88: {  	s2 =	sld [smem:$0x3FD9]  }
0x89: {  	s3 =	sld [smem:$0x3FFE];
	_ =	sdelay $0x1  }
0x8a: {  	s1 =	srdreg.scid  }
0x8b: {  	s0 =	sand.u32 $0x1, s1  }
0x8c: {  	s17 =	sshll.u32 s0, $0xA;
	s2 =	sadd.s32 s3, s2  }
0x8d: {  	s2 =	sadd.s32 s2, s17  }
0x8e: {  	[smem:$0x3FC2] =	sst s2  }
0x8f: {  	_ = 	snop  }
0x90: {  	s2 =	sld [smem:$0x3FC8]  }
0x91: {  	s18 =	sld [smem:$0x3FD0];
	(tm) =	ssettm $0x1  }
0x92: {  	s4 =	sld [smem:$0x3FFB];
	_ =	sdelay $0x3  }
0x93: {  	_ =	strace s4  }
0x94: {  	s4 =	sld [smem:$0x3FFC];
	_ =	sdelay $0x3  }
0x95: {  	_ =	strace s4  }
0x96: {  	s4 =	sld [smem:$0x3FFD];
	_ =	sdelay $0x3  }
0x97: {  	_ =	strace s4  }
0x98: {  	_ =	strace $0x8FFFFFFF  }
0x99: {  	s19 =	sld [smem:$0x3FDB];
	_ =	sdelay $0x1  }
0x9a: {  	s5 =	simm.s32 $_scs_section_size  }
0x9b: {  	s6 =	simm.s32 $_size__tile_overlayer_lowered;
	s7 =	simm.s32 $_tile_overlayer_lowered  }
0x9c: {  	s22 =	simm.s32 $0x1BFF;
	s21 =	sshll.u32 s7, $0x1;
	s4 =	sadd.s32 s5, s19  }
0x9d: {  	s8 =	simm.s32 $0x0;
	s20 =	sshll.u32 s6, $0x1;
	s6 =	sadd.s32 s21, s4  }
0x9e: {  	[timem:s8], [sflag:s22] =	dma.local [hbm:s6], s20  }
0x9f: {  	_ =	swait.ge [sflag:s22], s20  }
0xa0: {  	s5 =	ssub.s32 $0x0, s20;
	[sflag:s22] =	ssyncset.done $0x0  }
0xa1: {  	[sflag:s22] =	ssyncadd.s32 s5;
	_ =	sdelay $0x1  }
0xa2: {  	s23 =	simm.s32 $0x1B8B  }
0xa3: {  	_ =	swait.ge [sflag:s23], $0x1  }
0xa4: {  	[sflag:s23] =	ssyncset.done $0x0  }
0xa5: {  	s25 =	simm.s32 $0x1B8E;
	s24 =	sld [smem:$0x3FFE];
	[sflag:s23] =	ssyncadd.s32 $0xFFFFFFFF  }
0xa6: {  	s26 =	simm.s32 $execute0_lowered;
	[smem:$0x3FD2] =	sst s25  }
0xa7: {  	s6 =	sshll.u32 s26, $0x1;
	_ =	strace $0x80000046;
	[dreg:$0x1] =	wrdreg $0xFFFFFFFF  }
0xa8: {  	s28 =	simm.s32 $_size_execute0_lowered;
	s4 =	sadd.s32 s4, s6;
	[dreg:$0x0] =	wrdreg $0x0  }
0xa9: {  	s6 =	sshll.u32 s28, $0x1;
	[dreg:$0x2] =	wrdreg s4  }
0xaa: {  	[dreg:$0x3] =	wrdreg s6  }
0xab: {  	[dreg:$0x4] =	wrdreg $0xC0  }
0xac: {  	_ =	task [dreg:s8], $0x5FFFF  }
0xad: {  	[dreg:$0x1] =	wrdreg $0xFFFFFFFF  }
0xae: {  	[dreg:$0x0] =	wrdreg $0x60  }
0xaf: {  	[dreg:$0x2] =	wrdreg s18  }
0xb0: {  	[dreg:$0x3] =	wrdreg s2  }
0xb1: {  	[dreg:$0x4] =	wrdreg s24  }
0xb2: {  	[dreg:$0x5] =	wrdreg $0xA  }
0xb3: {  	_ =	task.clear_ibuf [dreg:s8], $0x6FFFF;
	_ =	strace $0x90000046  }
0xb4: {  	s29 =	simm.s32 $0xA;
	_ =	strace $0x80000048  }
0xb5: {  	_ =	swait.ge [sflag:s29], $0x1  }
0xb6: {  	[sflag:s29] =	ssyncadd.s32 $0xFFFFFFFF  }
0xb7: {  	_ =	strace $0x90000048  }
0xb8: {  	_ =	sfence  }
0xb9: {  	s30 =	sld [smem:$0x0];
	_ =	sdelay $0x2  }
0xba: {  	s31 =	sshll.u32 s1, $0xD;
	s1 =	sshrl.u32 s1, $0x2  }
0xbb: {  	s3 =	sand.u32 $0x4000, s31;
	s1 =	sadd.s32 s1, s30  }
0xbc: {  	s0 =	sor.u32 s3, s0;
	s1 =	sshll.u32 s1, $0x11  }
0xbd: {  	s0 =	sor.u32 s1, s0  }
0xbe: {  	s0 =	sadd.s32 $0x8F2B, s0  }
0xbf: {  	[sflag:s0] =	ssyncadd.remote.s32 $0x1  }
0xc0: {  	_ =	sfence.sel $0xFFFF  }
0xc1: {  	[dreg:$0x0] =	wrdreg $0xFFFFFFFF;
	(pc) =	sbr.abs _section_cstart, $3  }
0xc2: {  	[dreg:$0x1] =	wrdreg $0xFFFFFFFF  }
0xc3: {  	_ =	task.clear_ibuf [dreg:s8], $0x2FFFF;
	_ =	strace $0x9FFFFFFF  }
0xc4: {  	(tm) =	ssettm $0x7FFFFFFF  }
0xc5: {  	_ =	shalt  }
tec
execute0_lowered:
.L_overlay_start_1:
0x0: {  	(tag) =	ssettag $0x1  }
0x1: {  	s1 =	rddreg [dreg:$0x0]  }
0x2: {  	s3 =	srdreg.scid;
	s2 =	rddreg [dreg:$0x1]  }
0x3: {  	s0 =	stileid.u32;
	s5 =	rddreg [dreg:$0x2]  }
0x4: {  	s16 =	simm.s32 $0x900;
	s17 =	simm.s32 $0x1100;
	s18 =	simm.s32 $0x1900  }
0x5: {  	s19 =	simm.s32 $0x2100;
	s4 =	sand.u32 $0x1, s3;
	s3 =	simm.s32 $0x0  }
0x6: {  	s20 =	simm.s32 $0x2900;
	s21 =	simm.s32 $0x3100;
	[smem:$0x7FF] =	sst s3  }
0x7: {  	s23 =	simm.s32 $0x3900;
	_ =	strace $0x80000047;
	[dreg:$0x7] =	wrdreg s16  }
0x8: {  	s24 =	simm.s32 $0x4100;
	s25 =	simm.s32 $0x4900;
	[dreg:$0x8] =	wrdreg s17  }
0x9: {  	s26 =	simm.s32 $0x5100;
	s8 =	simm.s32 $0x6100;
	[dreg:$0x9] =	wrdreg s18  }
0xa: {  	s9 =	simm.s32 $0x6900;
	s10 =	simm.s32 $0x7100;
	[dreg:$0xa] =	wrdreg s19  }
0xb: {  	s11 =	simm.s32 $0x7900;
	s12 =	simm.s32 $0x8100;
	[dreg:$0xb] =	wrdreg s20  }
0xc: {  	s13 =	simm.s32 $0x8900;
	s28 =	simm.s32 $0xF900;
	[dreg:$0xc] =	wrdreg s21  }
0xd: {  	s29 =	simm.s32 $0x1;
	s30 =	simm.s32 $0x2;
	[dreg:$0xd] =	wrdreg s23  }
0xe: {  	s31 =	simm.s32 $0x3;
	s6 =	sshll.u32 s0, $0x9;
	[dreg:$0xe] =	wrdreg s24  }
0xf: {  	s7 =	sshll.u32 s4, $0x8;
	s4 =	ssub.s32 $0x2, s4;
	[dreg:$0xf] =	wrdreg s25  }
0x10: {  	s6 =	sor.u32 s7, s6;
	s22 =	sshrl.u32 s4, $0x1;
	[dreg:$0x10] =	wrdreg s26  }
0x11: {  	s16 =	simm.s32 $0xA100;
	s17 =	simm.s32 $0xA900;
	s18 =	simm.s32 $0xB100  }
0x12: {  	s19 =	simm.s32 $0xB900;
	s20 =	simm.s32 $0xC100;
	s21 =	simm.s32 $0xC900  }
0x13: {  	s23 =	simm.s32 $0xD900;
	s24 =	simm.s32 $0xE100;
	s25 =	simm.s32 $0xE900  }
0x14: {  	s26 =	simm.s32 $0xF100;
	s7 =	sshll.u32 s6, $0x5;
	s6 =	sshrl.u32 s6, $0x3  }
0x15: {  	s4 =	ssub.s32 s4, s22;
	s22 =	simm.s32 $0xD100;
	s5 =	sadd.s32 s7, s5  }
0x16: {  	s1 =	sadd.s32 s1, s6;
	s4 =	smax.u32 s4, $0x1;
	s6 =	simm.s32 $0x100  }
0x17: {  	v2 =	vlaneseq.u32;
	[dreg:$0x4] =	wrdreg s1;
	s14 =	sadd.s32 $0x1600, s5;
	s15 =	sadd.s32 $0x2600, s5  }
0x18: {  	vm0 =	vmmov $0xffff;
	v1 =	vshrl.u32 v2, $0x3;
	s5 =	simm.s32 $0x5;
	s1 =	simm.s32 $0x4;
	[dreg:$0x5] =	wrdreg s14  }
0x19: {  	v0 =	vand.u32 $0x7, v2;
	v2 =	vor.u32 $0x8, v2;
	v1 =	vmul.u32 $0x8, v1;
	[dreg:$0x6] =	wrdreg s15;
	s14 =	simm.s32 $0x9100;
	s15 =	simm.s32 $0x9900  }
.LBB2_1:
0x1a: {  	s0 =	rddreg [dreg:$0x4]  }
0x1b: {  	[tilespmem:s3], [sflag:$0x5] =	stream.linear.gather [hbm4b:s0+s3], $0x100, $0x38;
	[tilespmem:$0x10100] =	vst v63  }
0x1c: {  	_ =	swait.ge [sflag:s5], $0x100  }
0x1d: {  	[sflag:s5] =	ssyncset.done $0x0  }
0x1e: {  	[sflag:s5] =	ssyncadd.s32 $0xFFFFFF00  }
0x1f: {  	v3 =	vld [tilespmem:$0x0];
	_ =	sdelay $0x4  }
0x20: {  	v4 =	vshll.u32 v3, $0x1  }
0x21: {  	v3 =	vand.u32 $0x7, v3;
	v4 =	vand.u32 $0xFFFFFFF0, v4  }
0x22: {  	v3 =	vor.u32 v3, v4  }
0x23: {  	v4 =	vperm.xlane v3, v0;
	_ =	sdelay $0x1  }
0x24: {  	v3 =	vperm.xlane v3, v2;
	v4 =	vadd.s32 v1, v4;
	_ =	sdelay $0x1  }
0x25: {  	v3 =	vadd.s32 v1, v3;
	_ =	sdelay $0x2  }
0x26: {  	[tilespmem:s6], [sflag:$0x1] =	stream.indirect_vreg.gather [hbm4b:s2+s3], $0x80, v4, vm0, $0xb8;
	[tilespmem:$0x10100] =	vst v63  }
0x27: {  	s7 =	rddreg [dreg:$0x7]  }
0x28: {  	[tilespmem:s7], [sflag:$0x1] =	stream.indirect_vreg.gather [hbm4b:s2+s3], $0x80, v3, vm0, $0xb8;
	[tilespmem:$0x10100] =	vst v63  }
0x29: {  	v3 =	vld [tilespmem:$0x10];
	_ =	sdelay $0x4  }
0x2a: {  	v49 =	vshll.u32 v3, $0x1  }
0x2b: {  	v3 =	vand.u32 $0x7, v3;
	v4 =	vand.u32 $0xFFFFFFF0, v49  }
0x2c: {  	v3 =	vor.u32 v3, v4  }
0x2d: {  	v4 =	vperm.xlane v3, v0;
	_ =	sdelay $0x1  }
0x2e: {  	v3 =	vperm.xlane v3, v2;
	v4 =	vadd.s32 v1, v4;
	_ =	sdelay $0x1  }
0x2f: {  	v3 =	vadd.s32 v1, v3;
	_ =	sdelay $0x1  }
0x30: {  	s0 =	rddreg [dreg:$0x8]  }
0x31: {  	[tilespmem:s0], [sflag:$0x1] =	stream.indirect_vreg.gather [hbm4b:s2+s3], $0x80, v4, vm0, $0xb8;
	[tilespmem:$0x10100] =	vst v63  }
0x32: {  	s7 =	rddreg [dreg:$0x9]  }
0x33: {  	[tilespmem:s7], [sflag:$0x1] =	stream.indirect_vreg.gather [hbm4b:s2+s3], $0x80, v3, vm0, $0xb8;
	[tilespmem:$0x10100] =	vst v63  }
0x34: {  	v3 =	vld [tilespmem:$0x20];
	_ =	sdelay $0x4  }
0x35: {  	v50 =	vshll.u32 v3, $0x1  }
0x36: {  	v3 =	vand.u32 $0x7, v3;
	v4 =	vand.u32 $0xFFFFFFF0, v50  }
0x37: {  	v3 =	vor.u32 v3, v4  }
0x38: {  	v4 =	vperm.xlane v3, v0;
	_ =	sdelay $0x1  }
0x39: {  	v3 =	vperm.xlane v3, v2;
	v4 =	vadd.s32 v1, v4;
	_ =	sdelay $0x1  }
0x3a: {  	v3 =	vadd.s32 v1, v3;
	_ =	sdelay $0x1  }
0x3b: {  	s0 =	rddreg [dreg:$0xa]  }
0x3c: {  	[tilespmem:s0], [sflag:$0x1] =	stream.indirect_vreg.gather [hbm4b:s2+s3], $0x80, v4, vm0, $0xb8;
	[tilespmem:$0x10100] =	vst v63  }
0x3d: {  	s7 =	rddreg [dreg:$0xb]  }
0x3e: {  	[tilespmem:s7], [sflag:$0x1] =	stream.indirect_vreg.gather [hbm4b:s2+s3], $0x80, v3, vm0, $0xb8;
	[tilespmem:$0x10100] =	vst v63  }
0x3f: {  	v3 =	vld [tilespmem:$0x30];
	_ =	sdelay $0x4  }
0x40: {  	v51 =	vshll.u32 v3, $0x1  }
0x41: {  	v3 =	vand.u32 $0x7, v3;
	v4 =	vand.u32 $0xFFFFFFF0, v51  }
0x42: {  	v3 =	vor.u32 v3, v4  }
0x43: {  	v4 =	vperm.xlane v3, v0;
	_ =	sdelay $0x1  }
0x44: {  	v3 =	vperm.xlane v3, v2;
	v4 =	vadd.s32 v1, v4;
	_ =	sdelay $0x1  }
0x45: {  	v3 =	vadd.s32 v1, v3;
	_ =	sdelay $0x1  }
0x46: {  	s0 =	rddreg [dreg:$0xc]  }
0x47: {  	[tilespmem:s0], [sflag:$0x1] =	stream.indirect_vreg.gather [hbm4b:s2+s3], $0x80, v4, vm0, $0xb8;
	[tilespmem:$0x10100] =	vst v63  }
0x48: {  	s7 =	rddreg [dreg:$0xd]  }
0x49: {  	[tilespmem:s7], [sflag:$0x1] =	stream.indirect_vreg.gather [hbm4b:s2+s3], $0x80, v3, vm0, $0xb8;
	[tilespmem:$0x10100] =	vst v63  }
0x4a: {  	v3 =	vld [tilespmem:$0x40];
	_ =	sdelay $0x4  }
0x4b: {  	v52 =	vshll.u32 v3, $0x1  }
0x4c: {  	v3 =	vand.u32 $0x7, v3;
	v4 =	vand.u32 $0xFFFFFFF0, v52  }
0x4d: {  	v3 =	vor.u32 v3, v4  }
0x4e: {  	v4 =	vperm.xlane v3, v0;
	_ =	sdelay $0x1  }
0x4f: {  	v3 =	vperm.xlane v3, v2;
	v4 =	vadd.s32 v1, v4;
	_ =	sdelay $0x1  }
0x50: {  	v3 =	vadd.s32 v1, v3;
	_ =	sdelay $0x1  }
0x51: {  	s0 =	rddreg [dreg:$0xe]  }
0x52: {  	[tilespmem:s0], [sflag:$0x1] =	stream.indirect_vreg.gather [hbm4b:s2+s3], $0x80, v4, vm0, $0xb8;
	[tilespmem:$0x10100] =	vst v63  }
0x53: {  	s7 =	rddreg [dreg:$0xf]  }
0x54: {  	[tilespmem:s7], [sflag:$0x1] =	stream.indirect_vreg.gather [hbm4b:s2+s3], $0x80, v3, vm0, $0xb8;
	[tilespmem:$0x10100] =	vst v63  }
0x55: {  	v3 =	vld [tilespmem:$0x50];
	_ =	sdelay $0x4  }
0x56: {  	v53 =	vshll.u32 v3, $0x1  }
0x57: {  	v3 =	vand.u32 $0x7, v3;
	v4 =	vand.u32 $0xFFFFFFF0, v53  }
0x58: {  	v3 =	vor.u32 v3, v4  }
0x59: {  	v4 =	vperm.xlane v3, v0;
	_ =	sdelay $0x1  }
0x5a: {  	v3 =	vperm.xlane v3, v2;
	v4 =	vadd.s32 v1, v4;
	_ =	sdelay $0x1  }
0x5b: {  	v3 =	vadd.s32 v1, v3;
	_ =	sdelay $0x1  }
0x5c: {  	s7 =	rddreg [dreg:$0x10]  }
0x5d: {  	[tilespmem:s7], [sflag:$0x1] =	stream.indirect_vreg.gather [hbm4b:s2+s3], $0x80, v4, vm0, $0xb8;
	[tilespmem:$0x10100] =	vst v63  }
0x5e: {  	s7 =	simm.s32 $0x5900  }
0x5f: {  	[tilespmem:s7], [sflag:$0x1] =	stream.indirect_vreg.gather [hbm4b:s2+s3], $0x80, v3, vm0, $0xb8;
	[tilespmem:$0x10100] =	vst v63  }
0x60: {  	v3 =	vld [tilespmem:$0x60];
	_ =	sdelay $0x4  }
0x61: {  	v54 =	vshll.u32 v3, $0x1  }
0x62: {  	v3 =	vand.u32 $0x7, v3;
	v4 =	vand.u32 $0xFFFFFFF0, v54  }
0x63: {  	v3 =	vor.u32 v3, v4  }
0x64: {  	v4 =	vperm.xlane v3, v0;
	_ =	sdelay $0x1  }
0x65: {  	v3 =	vperm.xlane v3, v2;
	v4 =	vadd.s32 v1, v4;
	_ =	sdelay $0x1  }
0x66: {  	v3 =	vadd.s32 v1, v3;
	_ =	sdelay $0x2  }
0x67: {  	[tilespmem:s8], [sflag:$0x1] =	stream.indirect_vreg.gather [hbm4b:s2+s3], $0x80, v4, vm0, $0xb8;
	[tilespmem:$0x10100] =	vst v63  }
0x68: {  	_ = 	snop  }
0x69: {  	[tilespmem:s9], [sflag:$0x1] =	stream.indirect_vreg.gather [hbm4b:s2+s3], $0x80, v3, vm0, $0xb8;
	[tilespmem:$0x10100] =	vst v63  }
0x6a: {  	v3 =	vld [tilespmem:$0x70];
	_ =	sdelay $0x4  }
0x6b: {  	v55 =	vshll.u32 v3, $0x1  }
0x6c: {  	v3 =	vand.u32 $0x7, v3;
	v4 =	vand.u32 $0xFFFFFFF0, v55  }
0x6d: {  	v3 =	vor.u32 v3, v4  }
0x6e: {  	v4 =	vperm.xlane v3, v0;
	_ =	sdelay $0x1  }
0x6f: {  	v3 =	vperm.xlane v3, v2;
	v4 =	vadd.s32 v1, v4;
	_ =	sdelay $0x1  }
0x70: {  	v3 =	vadd.s32 v1, v3;
	_ =	sdelay $0x2  }
0x71: {  	[tilespmem:s10], [sflag:$0x1] =	stream.indirect_vreg.gather [hbm4b:s2+s3], $0x80, v4, vm0, $0xb8;
	[tilespmem:$0x10100] =	vst v63  }
0x72: {  	_ = 	snop  }
0x73: {  	[tilespmem:s11], [sflag:$0x1] =	stream.indirect_vreg.gather [hbm4b:s2+s3], $0x80, v3, vm0, $0xb8;
	[tilespmem:$0x10100] =	vst v63  }
0x74: {  	v3 =	vld [tilespmem:$0x80];
	_ =	sdelay $0x4  }
0x75: {  	v56 =	vshll.u32 v3, $0x1  }
0x76: {  	v3 =	vand.u32 $0x7, v3;
	v4 =	vand.u32 $0xFFFFFFF0, v56  }
0x77: {  	v3 =	vor.u32 v3, v4  }
0x78: {  	v4 =	vperm.xlane v3, v0;
	_ =	sdelay $0x1  }
0x79: {  	v3 =	vperm.xlane v3, v2;
	v4 =	vadd.s32 v1, v4;
	_ =	sdelay $0x1  }
0x7a: {  	v3 =	vadd.s32 v1, v3;
	_ =	sdelay $0x2  }
0x7b: {  	[tilespmem:s12], [sflag:$0x2] =	stream.indirect_vreg.gather [hbm4b:s2+s3], $0x80, v4, vm0, $0xb8;
	[tilespmem:$0x10100] =	vst v63  }
0x7c: {  	_ = 	snop  }
0x7d: {  	[tilespmem:s13], [sflag:$0x2] =	stream.indirect_vreg.gather [hbm4b:s2+s3], $0x80, v3, vm0, $0xb8;
	[tilespmem:$0x10100] =	vst v63  }
0x7e: {  	v3 =	vld [tilespmem:$0x90];
	_ =	sdelay $0x4  }
0x7f: {  	v57 =	vshll.u32 v3, $0x1  }
0x80: {  	v3 =	vand.u32 $0x7, v3;
	v4 =	vand.u32 $0xFFFFFFF0, v57  }
0x81: {  	v3 =	vor.u32 v3, v4  }
0x82: {  	v4 =	vperm.xlane v3, v0;
	_ =	sdelay $0x1  }
0x83: {  	v3 =	vperm.xlane v3, v2;
	v4 =	vadd.s32 v1, v4;
	_ =	sdelay $0x1  }
0x84: {  	v3 =	vadd.s32 v1, v3;
	_ =	sdelay $0x2  }
0x85: {  	[tilespmem:s14], [sflag:$0x2] =	stream.indirect_vreg.gather [hbm4b:s2+s3], $0x80, v4, vm0, $0xb8;
	[tilespmem:$0x10100] =	vst v63  }
0x86: {  	_ = 	snop  }
0x87: {  	[tilespmem:s15], [sflag:$0x2] =	stream.indirect_vreg.gather [hbm4b:s2+s3], $0x80, v3, vm0, $0xb8;
	[tilespmem:$0x10100] =	vst v63  }
0x88: {  	v3 =	vld [tilespmem:$0xA0];
	_ =	sdelay $0x4  }
0x89: {  	v58 =	vshll.u32 v3, $0x1  }
0x8a: {  	v3 =	vand.u32 $0x7, v3;
	v4 =	vand.u32 $0xFFFFFFF0, v58  }
0x8b: {  	v3 =	vor.u32 v3, v4  }
0x8c: {  	v4 =	vperm.xlane v3, v0;
	_ =	sdelay $0x1  }
0x8d: {  	v3 =	vperm.xlane v3, v2;
	v4 =	vadd.s32 v1, v4;
	_ =	sdelay $0x1  }
0x8e: {  	v3 =	vadd.s32 v1, v3;
	_ =	sdelay $0x2  }
0x8f: {  	[tilespmem:s16], [sflag:$0x2] =	stream.indirect_vreg.gather [hbm4b:s2+s3], $0x80, v4, vm0, $0xb8;
	[tilespmem:$0x10100] =	vst v63  }
0x90: {  	_ = 	snop  }
0x91: {  	[tilespmem:s17], [sflag:$0x2] =	stream.indirect_vreg.gather [hbm4b:s2+s3], $0x80, v3, vm0, $0xb8;
	[tilespmem:$0x10100] =	vst v63  }
0x92: {  	v3 =	vld [tilespmem:$0xB0];
	_ =	sdelay $0x4  }
0x93: {  	v59 =	vshll.u32 v3, $0x1  }
0x94: {  	v3 =	vand.u32 $0x7, v3;
	v4 =	vand.u32 $0xFFFFFFF0, v59  }
0x95: {  	v3 =	vor.u32 v3, v4  }
0x96: {  	v4 =	vperm.xlane v3, v0;
	_ =	sdelay $0x1  }
0x97: {  	v3 =	vperm.xlane v3, v2;
	v4 =	vadd.s32 v1, v4;
	_ =	sdelay $0x1  }
0x98: {  	v3 =	vadd.s32 v1, v3;
	_ =	sdelay $0x2  }
0x99: {  	[tilespmem:s18], [sflag:$0x2] =	stream.indirect_vreg.gather [hbm4b:s2+s3], $0x80, v4, vm0, $0xb8;
	[tilespmem:$0x10100] =	vst v63  }
0x9a: {  	_ = 	snop  }
0x9b: {  	[tilespmem:s19], [sflag:$0x2] =	stream.indirect_vreg.gather [hbm4b:s2+s3], $0x80, v3, vm0, $0xb8;
	[tilespmem:$0x10100] =	vst v63  }
0x9c: {  	v3 =	vld [tilespmem:$0xC0];
	_ =	sdelay $0x4  }
0x9d: {  	v60 =	vshll.u32 v3, $0x1  }
0x9e: {  	v3 =	vand.u32 $0x7, v3;
	v4 =	vand.u32 $0xFFFFFFF0, v60  }
0x9f: {  	v3 =	vor.u32 v3, v4  }
0xa0: {  	v4 =	vperm.xlane v3, v0;
	_ =	sdelay $0x1  }
0xa1: {  	v3 =	vperm.xlane v3, v2;
	v4 =	vadd.s32 v1, v4;
	_ =	sdelay $0x1  }
0xa2: {  	v3 =	vadd.s32 v1, v3;
	_ =	sdelay $0x2  }
0xa3: {  	[tilespmem:s20], [sflag:$0x2] =	stream.indirect_vreg.gather [hbm4b:s2+s3], $0x80, v4, vm0, $0xb8;
	[tilespmem:$0x10100] =	vst v63  }
0xa4: {  	_ = 	snop  }
0xa5: {  	[tilespmem:s21], [sflag:$0x2] =	stream.indirect_vreg.gather [hbm4b:s2+s3], $0x80, v3, vm0, $0xb8;
	[tilespmem:$0x10100] =	vst v63  }
0xa6: {  	v3 =	vld [tilespmem:$0xD0];
	_ =	sdelay $0x4  }
0xa7: {  	v61 =	vshll.u32 v3, $0x1  }
0xa8: {  	v3 =	vand.u32 $0x7, v3;
	v4 =	vand.u32 $0xFFFFFFF0, v61  }
0xa9: {  	v3 =	vor.u32 v3, v4  }
0xaa: {  	v4 =	vperm.xlane v3, v0;
	_ =	sdelay $0x1  }
0xab: {  	v3 =	vperm.xlane v3, v2;
	v4 =	vadd.s32 v1, v4;
	_ =	sdelay $0x1  }
0xac: {  	v3 =	vadd.s32 v1, v3;
	_ =	sdelay $0x2  }
0xad: {  	[tilespmem:s22], [sflag:$0x2] =	stream.indirect_vreg.gather [hbm4b:s2+s3], $0x80, v4, vm0, $0xb8;
	[tilespmem:$0x10100] =	vst v63  }
0xae: {  	_ = 	snop  }
0xaf: {  	[tilespmem:s23], [sflag:$0x2] =	stream.indirect_vreg.gather [hbm4b:s2+s3], $0x80, v3, vm0, $0xb8;
	[tilespmem:$0x10100] =	vst v63  }
0xb0: {  	v3 =	vld [tilespmem:$0xE0];
	_ =	sdelay $0x4  }
0xb1: {  	v62 =	vshll.u32 v3, $0x1  }
0xb2: {  	v3 =	vand.u32 $0x7, v3;
	v4 =	vand.u32 $0xFFFFFFF0, v62  }
0xb3: {  	v3 =	vor.u32 v3, v4  }
0xb4: {  	v4 =	vperm.xlane v3, v0;
	_ =	sdelay $0x1  }
0xb5: {  	v3 =	vperm.xlane v3, v2;
	v4 =	vadd.s32 v1, v4;
	_ =	sdelay $0x1  }
0xb6: {  	v3 =	vadd.s32 v1, v3;
	_ =	sdelay $0x2  }
0xb7: {  	[tilespmem:s24], [sflag:$0x2] =	stream.indirect_vreg.gather [hbm4b:s2+s3], $0x80, v4, vm0, $0xb8;
	[tilespmem:$0x10100] =	vst v63  }
0xb8: {  	_ = 	snop  }
0xb9: {  	[tilespmem:s25], [sflag:$0x2] =	stream.indirect_vreg.gather [hbm4b:s2+s3], $0x80, v3, vm0, $0xb8;
	[tilespmem:$0x10100] =	vst v63  }
0xba: {  	v3 =	vld [tilespmem:$0xF0];
	_ =	sdelay $0x4  }
0xbb: {  	v63 =	vshll.u32 v3, $0x1  }
0xbc: {  	v3 =	vand.u32 $0x7, v3;
	v4 =	vand.u32 $0xFFFFFFF0, v63  }
0xbd: {  	v3 =	vor.u32 v3, v4  }
0xbe: {  	v4 =	vperm.xlane v3, v0;
	_ =	sdelay $0x1  }
0xbf: {  	v3 =	vperm.xlane v3, v2;
	v4 =	vadd.s32 v1, v4;
	_ =	sdelay $0x1  }
0xc0: {  	v3 =	vadd.s32 v1, v3;
	_ =	sdelay $0x2  }
0xc1: {  	[tilespmem:s26], [sflag:$0x2] =	stream.indirect_vreg.gather [hbm4b:s2+s3], $0x80, v4, vm0, $0xb8;
	[tilespmem:$0x10100] =	vst v63  }
0xc2: {  	_ = 	snop  }
0xc3: {  	[tilespmem:s28], [sflag:$0x2] =	stream.indirect_vreg.gather [hbm4b:s2+s3], $0x80, v3, vm0, $0xb8;
	[tilespmem:$0x10100] =	vst v63  }
0xc4: {  	_ =	swait.ge [sflag:s29], $0x8000  }
0xc5: {  	[sflag:s29] =	ssyncset.done $0x0  }
0xc6: {  	s7 =	rddreg [dreg:$0x5];
	[sflag:s29] =	ssyncadd.s32 $0xFFFF8000  }
0xc7: {  	[hbm4b:s7+s3] =	stream.linear.scatter [tilespmem:s6], [sflag:$0x3], $0x8000, $0x38;
	[tilespmem:$0x10100] =	vst v63  }
0xc8: {  	_ =	swait.ge [sflag:s30], $0x8000  }
0xc9: {  	[sflag:s30] =	ssyncset.done $0x0  }
0xca: {  	s7 =	rddreg [dreg:$0x6];
	[sflag:s30] =	ssyncadd.s32 $0xFFFF8000  }
0xcb: {  	[hbm4b:s7+s3] =	stream.linear.scatter [tilespmem:s12], [sflag:$0x4], $0x8000, $0x38;
	[tilespmem:$0x10100] =	vst v63  }
0xcc: {  	p0 =	sne.s32 s4, $0x1;
	_ =	swait.ge [sflag:s31], $0x8000  }
.Ltmp0:
0xcd: {  	[sflag:s31] =	ssyncset.done $0x0;
	(pc) =	sbr.rel @p0 .LBB2_1-.Ltmp0, $4  }
0xce: {  	[sflag:s31] =	ssyncadd.s32 $0xFFFF8000  }
0xcf: {  	_ =	swait.ge [sflag:s1], $0x8000  }
0xd0: {  	[sflag:s1] =	ssyncset.done $0x0  }
0xd1: {  	s4 =	sadd.s32 $0xFFFFFFFF, s4;
	[sflag:s1] =	ssyncadd.s32 $0xFFFF8000  }
0xd2: {  	_ =	sfence.sel $0x180000  }
0xd3: {  	[bflag:$0x0] =	sbarrier.arrive $0xFFFF  }
0xd4: {  	_ =	strace $0x90000047  }
0xd5: {  	s0 =	stileid.u32;
	[bflag:$0x2] =	sbarrier.arrive $0xFFFF  }
0xd6: {  	p0 =	sne.s32 s0, $0x0;
	s0 =	rddreg [dreg:$0x3]  }
0xd7: {  	s0 =	sadd.s32 @!p0 $0x100000, s0  }
0xd8: {  	[sflag:s0] =	ssyncadd.tile.s32 @!p0 $0x1;
	_ =	shalt  }
.Lfunc_end2:
_tile_overlayer_lowered:
.L_overlay_start_2:
0xd9: {  	(tag) =	ssettag $0x2  }
0xda: {  	s0 =	rddreg [dreg:$0x0];
	s2 =	stileid.u32  }
0xdb: {  	s1 =	rddreg [dreg:$0x1];
	p0 =	sne.s32 s2, $0x0  }
0xdc: {  	s3 =	rddreg [dreg:$0x2];
	[bflag:$0x3] =	sbarrier.arrive $0xFFFF;
	s2 =	simm.s32 @!p0 $0x1C05  }
0xdd: {  	[timem:s3], [sflag:s2] =	dma.local @!p0 [hbm:s0], s1  }
0xde: {  	s0 =	simm.s32 @!p0 $0x5  }
0xdf: {  	_ =	swait.ge @!p0 [sflag:s0], s1  }
0xe0: {  	s1 =	ssub.s32 @!p0 $0x0, s1;
	[sflag:s0] =	ssyncset.done @!p0 $0x0  }
0xe1: {  	[sflag:s0] =	ssyncadd.s32 @!p0 s1  }
0xe2: {  	[bflag:$0x3] =	sbarrier.arrive $0xFFFF  }
0xe3: {  	_ =	shalt  }

</sc_bundles>
